<compile_context>
chip_gen: v7x
topology: tpu7x:2x2x1
jax: 0.10.2.dev20260603
libtpu: 0.0.44.dev20260713+nightly
codegen_flags: <defaults>
</compile_context>

<pallas_src>
import functools

import jax
import jax.numpy as jnp
from jax import lax
from jax.experimental import pallas as pl
from jax.experimental.pallas import tpu as pltpu
from jax.experimental.pallas import tpu_sc as plsc

KTOP = 20
TK = 1024
NEG = -3.0e38
PAD_VT = -1.0e30
EPS = 1e-8


def _topk_body(z_ref, w_ref, bank_ref, vt_ref, perm_ref, ub_ref, out_idx_ref,
               qn_s, rv_s, ri_s, sv_s, thmin_s):
    nq = z_ref.shape[0]
    j = pl.program_id(0)
    nsteps = pl.num_programs(0)

    @pl.when(j == 0)
    def _init():
        z = z_ref[...]
        w = w_ref[...]
        q = lax.dot_general(z, w, (((1,), (1,)), ((), ())),
                            preferred_element_type=jnp.float32)
        qn = q / jnp.maximum(jnp.sqrt(jnp.sum(q * q, axis=1, keepdims=True)), EPS)
        qn_s[...] = qn
        rv_s[...] = jnp.full(rv_s.shape, NEG, jnp.float32)
        ri_s[...] = jnp.zeros(ri_s.shape, jnp.int32)
        thmin_s[0, 0] = NEG

    @pl.when(jnp.logical_or(j == 0, ub_ref[0, j] >= thmin_s[0, 0]))
    def _tile():
        b = bank_ref[...]
        nb = jnp.maximum(jnp.sqrt(jnp.sum(b * b, axis=1, keepdims=True)), EPS)
        bn = b / nb
        s = lax.dot_general(qn_s[...], bn, (((1,), (1,)), ((), ())),
                            preferred_element_type=jnp.float32)
        sv_s[...] = 0.5 * s + 0.5 * vt_ref[...]
        pb = jnp.broadcast_to(perm_ref[...], (nq, TK))

        iota_k = lax.broadcasted_iota(jnp.int32, (nq, KTOP), 1)
        big = jnp.int32(2 ** 30)

        def _cond(carry):
            m, th = carry
            return jnp.any(m >= th)

        def _body(carry):
            m, _ = carry
            sv = sv_s[...]
            eq = sv == m
            selp = jnp.min(jnp.where(eq, pb, big), axis=1, keepdims=True)
            sv = jnp.where(jnp.logical_and(eq, pb == selp), NEG, sv)
            sv_s[...] = sv
            rvv = rv_s[...]
            riv = ri_s[...]
            beats = jnp.logical_or(rvv > m,
                                   jnp.logical_and(rvv == m, riv < selp))
            pos = jnp.sum(beats.astype(jnp.int32), axis=1, keepdims=True)
            sh_v = jnp.concatenate([rvv[:, :1], rvv[:, :KTOP - 1]], axis=1)
            sh_i = jnp.concatenate([riv[:, :1], riv[:, :KTOP - 1]], axis=1)
            new_v = jnp.where(iota_k < pos, rvv,
                              jnp.where(iota_k == pos, m, sh_v))
            new_i = jnp.where(iota_k < pos, riv,
                              jnp.where(iota_k == pos, selp, sh_i))
            rv_s[...] = new_v
            ri_s[...] = new_i
            return (jnp.max(sv, axis=1, keepdims=True),
                    new_v[:, KTOP - 1:KTOP])

        m0 = jnp.max(sv_s[...], axis=1, keepdims=True)
        th0 = rv_s[...][:, KTOP - 1:KTOP]
        lax.while_loop(_cond, _body, (m0, th0))
        thmin_s[0, 0] = jnp.min(rv_s[...][:, KTOP - 1:KTOP])

    @pl.when(j == nsteps - 1)
    def _emit():
        out_idx_ref[...] = ri_s[...]


def _topk_indices(z_ego, w, bank_perm, vt_perm, perm, ub):
    nq, d = z_ego.shape
    kpad = bank_perm.shape[0]
    grid = (kpad // TK,)
    nsteps = grid[0]
    return pl.pallas_call(
        _topk_body,
        grid=grid,
        in_specs=[
            pl.BlockSpec((nq, d), lambda j: (0, 0)),
            pl.BlockSpec((d, d), lambda j: (0, 0)),
            pl.BlockSpec((TK, d), lambda j: (j, 0)),
            pl.BlockSpec((1, TK), lambda j: (0, j)),
            pl.BlockSpec((1, TK), lambda j: (0, j)),
            pl.BlockSpec(memory_space=pltpu.SMEM),
        ],
        out_specs=pl.BlockSpec((nq, KTOP), lambda j: (0, 0)),
        out_shape=jax.ShapeDtypeStruct((nq, KTOP), jnp.int32),
        scratch_shapes=[
            pltpu.VMEM((nq, d), jnp.float32),
            pltpu.VMEM((nq, KTOP), jnp.float32),
            pltpu.VMEM((nq, KTOP), jnp.int32),
            pltpu.VMEM((nq, TK), jnp.float32),
            pltpu.SMEM((1, 1), jnp.float32),
        ],
    )(z_ego, w, bank_perm, vt_perm, perm, ub)


def _sc_gather_rows(table, idx_flat):
    n_idx, = idx_flat.shape
    d = table.shape[1]
    info = plsc.get_sparse_core_info()
    nc, ns = info.num_cores, info.num_subcores
    nw = nc * ns
    per_w = n_idx // nw

    @functools.partial(
        pl.kernel,
        mesh=plsc.VectorSubcoreMesh(core_axis_name="c", subcore_axis_name="s"),
        out_type=jax.ShapeDtypeStruct((n_idx, d), jnp.float32),
        scratch_types=[
            pltpu.VMEM((per_w,), jnp.int32),
            pltpu.VMEM((per_w, d), jnp.float32),
            pltpu.SemaphoreType.DMA,
        ],
    )
    def gather_kernel(table_hbm, idx_hbm, out_hbm, idx_v, rows_v, sem):
        wid = lax.axis_index("s") * nc + lax.axis_index("c")
        base = wid * per_w
        pltpu.sync_copy(idx_hbm.at[pl.ds(base, per_w)], idx_v)
        pltpu.async_copy(table_hbm.at[idx_v], rows_v, sem).wait()
        pltpu.sync_copy(rows_v, out_hbm.at[pl.ds(base, per_w)])

    return gather_kernel(table, idx_flat)


def kernel(z_ego, exo_bank, k, sim_vt, W):
    del k
    nq = z_ego.shape[0]
    nbank, d = exo_bank.shape
    kpad = (-nbank) % TK
    qv = jnp.clip(jnp.floor(sim_vt * 32767.0), 0, 32766).astype(jnp.uint32)
    key = ((jnp.uint32(32766) - qv) << 17) | jnp.arange(nbank, dtype=jnp.uint32)
    skey = jnp.sort(key)
    perm = (skey & jnp.uint32(0x1FFFF)).astype(jnp.int32)
    bank_perm = jnp.pad(exo_bank[perm], ((0, kpad), (0, 0)))
    vt_perm = jnp.pad(sim_vt[perm], (0, kpad), constant_values=PAD_VT)
    skey_pad = jnp.pad(skey, (0, kpad), constant_values=jnp.uint32(0xFFFFFFFF))
    q_first = 32766.0 - (skey_pad[::TK] >> 17).astype(jnp.float32)
    ub = (0.5 + 0.5 * (q_first + 1.0) / 32767.0).reshape(1, -1)
    perm_pad = jnp.pad(perm, (0, kpad)).reshape(1, -1)
    idx = _topk_indices(z_ego, W, bank_perm, vt_perm.reshape(1, -1),
                        perm_pad, ub)
    table = jnp.pad(exo_bank, ((0, 0), (0, 128 - d)))
    rows = _sc_gather_rows(table, idx.reshape(-1))
    return rows[:, :d].reshape(nq, KTOP, d), idx

# --- scband reference (transcript-rebuilt; emitter-appended) ---
"""Pipeline reference for scband-learnable-retrieval-branch-17746804867781 (READ-ONLY COPY).

The authoritative reference and input builder live on the scoring server;
editing this copy changes nothing except your own understanding.
"""

import jax, jax.numpy as jnp
import numpy as np


def pairwise_cosine_vv(q, bank, eps=1e-8):
    qn = q / jnp.clip(jnp.linalg.norm(q, axis=-1, keepdims=True), eps)
    bn = bank / jnp.clip(jnp.linalg.norm(bank, axis=-1, keepdims=True), eps)
    return qn @ bn.T


def broadcast_sim_vt(sim_vt, sim_vv):
    if sim_vt is None:
        return jnp.zeros_like(sim_vv)
    if sim_vt.ndim == 1:
        sim_vt = sim_vt.reshape(1, -1)
    return jnp.broadcast_to(sim_vt, sim_vv.shape)


def combined_score(sim_vv, sim_vt_b, w_vv, w_vt):
    return w_vv * sim_vv + w_vt * sim_vt_b


def setup_inputs(seed: int = 0) -> dict:
    key = jax.random.key(seed)
    k1, k2, k3, k4 = jax.random.split(key, 4)
    d_model = 64
    Q = 1024
    K = 100000
    z_ego = jax.random.normal(k1, (Q, d_model), dtype=jnp.float32)
    exo_bank = jax.random.normal(k2, (K, d_model), dtype=jnp.float32)
    sim_vt = jax.random.uniform(k3, (K,), dtype=jnp.float32)
    # nn.Linear(d_model, d_model, bias=False) weight, shape [out, in]
    W = jax.random.normal(k4, (d_model, d_model), dtype=jnp.float32) * (1.0 / np.sqrt(d_model))
    return {"z_ego": z_ego, "exo_bank": exo_bank, "k": 20, "sim_vt": sim_vt, "W": W}


def reference(z_ego, exo_bank, k, sim_vt, W):
    max_k = 20
    q = z_ego @ W.T
    k_eff = min(max_k, exo_bank.shape[0])
    sim_vv = pairwise_cosine_vv(q, exo_bank)
    sim_vt_b = broadcast_sim_vt(sim_vt, sim_vv)
    score = combined_score(sim_vv, sim_vt_b, 0.5, 0.5)
    score = score * jnp.asarray(k * 0 + 1, score.dtype)
    _, topk_idx = jax.lax.top_k(score, k_eff)
    return exo_bank[topk_idx], topk_idx

if __name__ == "__main__":
    import jax
    _d = setup_inputs()
    print(jax.jit(kernel)(*tuple(_d.values())))

</pallas_src>

<mosaic_0001>
#map = affine_map<(d0, d1) -> (0, 0)>
#map1 = affine_map<(d0, d1) -> (0)>
module attributes {stable_mosaic.version = 14 : i64} {
  func.func @gather_kernel(%arg0: i32, %arg1: i32, %arg2: memref<100000x128xf32, #tpu.memory_space<hbm>>, %arg3: memref<20480xi32, #tpu.memory_space<hbm>>, %arg4: memref<20480x128xf32, #tpu.memory_space<hbm>>, %arg5: memref<640xi32, #tpu.memory_space<vmem>>, %arg6: memref<640x128xf32, #tpu.memory_space<vmem>>, %arg7: memref<!tpu.dma_semaphore, #tpu.memory_space<semaphore_mem>>) attributes {dimension_semantics = [#tpu.dimension_semantics<core_parallel>, #tpu.dimension_semantics<subcore_parallel>], iteration_bounds = array<i64: 2, 16>, scalar_prefetch = 0 : i64, scratch_operands = 3 : i64, tpu.core_type = #tpu.core_type<sc_vector_subcore>, window_params = [{transform_indices = #map}, {transform_indices = #map1}, {transform_indices = #map}]} {
    %mul3A = arith.constant 2 : i32
    %mul3A_0 = arith.muli %arg1, %mul3A : i32
    %add3A = arith.addi %mul3A_0, %arg0 : i32
    %mul3A_1 = arith.constant 640 : i32
    %mul3A_2 = arith.muli %add3A, %mul3A_1 : i32
    "tpu.region"() ({
      %run_scoped3A = tpu.sem_alloc : memref<!tpu.dma_semaphore, #tpu.memory_space<semaphore_mem>>
      %dma_start3A_7 = tpu.memref_slice %arg3[%mul3A_2] : memref<20480xi32, #tpu.memory_space<hbm>> -> memref<640xi32, #tpu.memory_space<hbm>>
      %dma_start3A_8 = tpu.memref_slice %arg3[%mul3A_2] : memref<20480xi32, #tpu.memory_space<hbm>> -> memref<640xi32, #tpu.memory_space<hbm>>
      tpu.enqueue_dma source(%dma_start3A_8 : memref<640xi32, #tpu.memory_space<hbm>>) target(%arg5 : memref<640xi32, #tpu.memory_space<vmem>>) target_semaphore(%run_scoped3A : memref<!tpu.dma_semaphore, #tpu.memory_space<semaphore_mem>>)
      %dma_wait3A_9 = tpu.memref_slice %arg3[%mul3A_2] : memref<20480xi32, #tpu.memory_space<hbm>> -> memref<640xi32, #tpu.memory_space<hbm>>
      %dma_wait3A_10 = tpu.memref_slice %arg3[%mul3A_2] : memref<20480xi32, #tpu.memory_space<hbm>> -> memref<640xi32, #tpu.memory_space<hbm>>
      tpu.wait_dma2 semaphore(%run_scoped3A : memref<!tpu.dma_semaphore, #tpu.memory_space<semaphore_mem>>) src(%dma_wait3A_10 : memref<640xi32, #tpu.memory_space<hbm>>) dst(%arg5 : memref<640xi32, #tpu.memory_space<vmem>>)
      tpu.yield
    }) : () -> ()
    %dma_start3A = arith.constant 0 : i32
    %dma_start3A_3 = arith.constant 0 : i32
    %dma_start3A_4 = tpu.memref_slice %arg2[%dma_start3A, %dma_start3A_3] : memref<100000x128xf32, #tpu.memory_space<hbm>> -> memref<100000x128xf32, #tpu.memory_space<hbm>>
    tpu.enqueue_indirect_dma source(%dma_start3A_4 : memref<100000x128xf32, #tpu.memory_space<hbm>>) target(%arg6 : memref<640x128xf32, #tpu.memory_space<vmem>>) offsets(%arg5 : memref<640xi32, #tpu.memory_space<vmem>>) semaphore(%arg7 : memref<!tpu.dma_semaphore, #tpu.memory_space<semaphore_mem>>)
    %dma_wait3A = arith.constant 0 : i32
    %dma_wait3A_5 = arith.constant 0 : i32
    %dma_wait3A_6 = tpu.memref_slice %arg2[%dma_wait3A, %dma_wait3A_5] : memref<100000x128xf32, #tpu.memory_space<hbm>> -> memref<100000x128xf32, #tpu.memory_space<hbm>>
    tpu.wait_indirect_dma semaphore(%arg7 : memref<!tpu.dma_semaphore, #tpu.memory_space<semaphore_mem>>) src(%dma_wait3A_6 : memref<100000x128xf32, #tpu.memory_space<hbm>>) dst(%arg6 : memref<640x128xf32, #tpu.memory_space<vmem>>)
    "tpu.region"() ({
      %run_scoped3A = tpu.sem_alloc : memref<!tpu.dma_semaphore, #tpu.memory_space<semaphore_mem>>
      %dma_start3A_7 = arith.constant 0 : i32
      %dma_start3A_8 = tpu.memref_slice %arg4[%mul3A_2, %dma_start3A_7] : memref<20480x128xf32, #tpu.memory_space<hbm>> -> memref<640x128xf32, #tpu.memory_space<hbm>>
      %dma_start3A_9 = arith.constant 0 : i32
      %dma_start3A_10 = tpu.memref_slice %arg4[%mul3A_2, %dma_start3A_9] : memref<20480x128xf32, #tpu.memory_space<hbm>> -> memref<640x128xf32, #tpu.memory_space<hbm>>
      tpu.enqueue_dma source(%arg6 : memref<640x128xf32, #tpu.memory_space<vmem>>) target(%dma_start3A_10 : memref<640x128xf32, #tpu.memory_space<hbm>>) target_semaphore(%run_scoped3A : memref<!tpu.dma_semaphore, #tpu.memory_space<semaphore_mem>>)
      %dma_wait3A_11 = arith.constant 0 : i32
      %dma_wait3A_12 = tpu.memref_slice %arg4[%mul3A_2, %dma_wait3A_11] : memref<20480x128xf32, #tpu.memory_space<hbm>> -> memref<640x128xf32, #tpu.memory_space<hbm>>
      %dma_wait3A_13 = arith.constant 0 : i32
      %dma_wait3A_14 = tpu.memref_slice %arg4[%mul3A_2, %dma_wait3A_13] : memref<20480x128xf32, #tpu.memory_space<hbm>> -> memref<640x128xf32, #tpu.memory_space<hbm>>
      tpu.wait_dma2 semaphore(%run_scoped3A : memref<!tpu.dma_semaphore, #tpu.memory_space<semaphore_mem>>) src(%arg6 : memref<640x128xf32, #tpu.memory_space<vmem>>) dst(%dma_wait3A_14 : memref<640x128xf32, #tpu.memory_space<hbm>>)
      tpu.yield
    }) : () -> ()
    return
  }
}

module attributes {stable_mosaic.version = 14 : i64} {
  func.func @_topk_body(%arg0: i32, %arg1: memref<1024x64xf32, #tpu.memory_space<vmem>>, %arg2: memref<64x64xf32, #tpu.memory_space<vmem>>, %arg3: memref<1024x64xf32, #tpu.memory_space<vmem>>, %arg4: memref<1x1024xf32, #tpu.memory_space<vmem>>, %arg5: memref<1x1024xi32, #tpu.memory_space<vmem>>, %arg6: memref<1x98xf32, #tpu.memory_space<smem>>, %arg7: memref<1024x20xi32, #tpu.memory_space<vmem>>, %arg8: memref<1024x64xf32, #tpu.memory_space<vmem>>, %arg9: memref<1024x20xf32, #tpu.memory_space<vmem>>, %arg10: memref<1024x20xi32, #tpu.memory_space<vmem>>, %arg11: memref<1024x1024xf32, #tpu.memory_space<vmem>>, %arg12: memref<1x1xf32, #tpu.memory_space<smem>>) attributes {dimension_semantics = [#tpu.dimension_semantics<arbitrary>], iteration_bounds = array<i64: 98>, scalar_prefetch = 0 : i64, scratch_operands = 5 : i64, tpu.core_type = #tpu.core_type<tc>, window_params = [{pipeline_mode = #tpu.pipeline_mode<synchronous>, transform_indices = @transform_0, window_bounds = array<i64: 1024, 64>}, {pipeline_mode = #tpu.pipeline_mode<synchronous>, transform_indices = @transform_1, window_bounds = array<i64: 64, 64>}, {transform_indices = @transform_2, window_bounds = array<i64: 1024, 64>}, {transform_indices = @transform_3, window_bounds = array<i64: 1, 1024>}, {transform_indices = @transform_4, window_bounds = array<i64: 1, 1024>}, {transform_indices = @transform_5, window_bounds = array<i64: 1, 98>}, {pipeline_mode = #tpu.pipeline_mode<synchronous>, transform_indices = @transform_6, window_bounds = array<i64: 1024, 20>}]} {
    %eq3A = arith.constant 0 : i32
    %eq3A_0 = arith.cmpi eq, %arg0, %eq3A : i32
    %convert_element_type3A = arith.extui %eq3A_0 : i1 to i32
    %cond3A = arith.constant 0 : i32
    %cond3A_1 = arith.cmpi ne, %convert_element_type3A, %cond3A : i32
    scf.if %cond3A_1 {
      %get3A_17 = arith.constant 0 : index
      %get3A_18 = arith.constant 0 : index
      %get3A_19 = vector.load %arg1[%get3A_17, %get3A_18] : memref<1024x64xf32, #tpu.memory_space<vmem>>, vector<1024x64xf32>
      %get3A_20 = arith.constant 0 : index
      %get3A_21 = arith.constant 0 : index
      %get3A_22 = vector.load %arg2[%get3A_20, %get3A_21] : memref<64x64xf32, #tpu.memory_space<vmem>>, vector<64x64xf32>
      %dot_general3A = arith.constant dense<0.000000e+00> : vector<1024x64xf32>
      %dot_general3A_23 = tpu.matmul %get3A_19, %get3A_22, %dot_general3A {dimension_numbers = #tpu.dot_dimension_numbers<[1], [1], [0], [0], [0, 0, 1, 0], [], []>, transpose_lhs_hint = false} : vector<1024x64xf32>, vector<64x64xf32>, vector<1024x64xf32> -> vector<1024x64xf32>
      %mul3A = arith.mulf %dot_general3A_23, %dot_general3A_23 : vector<1024x64xf32>
      %reduce_sum3A = arith.constant dense<0.000000e+00> : vector<1024xf32>
      %reduce_sum3A_24 = vector.multi_reduction <add>, %mul3A, %reduce_sum3A [1] : vector<1024x64xf32> to vector<1024xf32>
      %broadcast_in_dim3A = vector.shape_cast %reduce_sum3A_24 : vector<1024xf32> to vector<1024x1xf32>
      %sqrt3A = math.sqrt %broadcast_in_dim3A : vector<1024x1xf32>
      %max3A = arith.constant 9.99999993E-9 : f32
      %max3A_25 = vector.broadcast %max3A : f32 to vector<1024x1xf32>
      %max3A_26 = arith.maximumf %sqrt3A, %max3A_25 : vector<1024x1xf32>
      %div3A = vector.broadcast %max3A_26 : vector<1024x1xf32> to vector<1024x64xf32>
      %div3A_27 = arith.divf %dot_general3A_23, %div3A : vector<1024x64xf32>
      %swap3A = arith.constant 0 : index
      %swap3A_28 = arith.constant 0 : index
      %swap3A_29 = vector.load %arg8[%swap3A, %swap3A_28] : memref<1024x64xf32, #tpu.memory_space<vmem>>, vector<1024x64xf32>
      tpu.vector_store %arg8[%swap3A, %swap3A_28], %div3A_27 {strides = array<i32>} : memref<1024x64xf32, #tpu.memory_space<vmem>>, vector<1024x64xf32>,
      %broadcast_in_dim3A_30 = arith.constant -3.000000e+38 : f32
      %broadcast_in_dim3A_31 = vector.broadcast %broadcast_in_dim3A_30 : f32 to vector<1024x20xf32>
      %swap3A_32 = arith.constant 0 : index
      %swap3A_33 = arith.constant 0 : index
      %swap3A_34 = vector.load %arg9[%swap3A_32, %swap3A_33] : memref<1024x20xf32, #tpu.memory_space<vmem>>, vector<1024x20xf32>
      tpu.vector_store %arg9[%swap3A_32, %swap3A_33], %broadcast_in_dim3A_31 {strides = array<i32>} : memref<1024x20xf32, #tpu.memory_space<vmem>>, vector<1024x20xf32>,
      %broadcast_in_dim3A_35 = arith.constant 0 : i32
      %broadcast_in_dim3A_36 = vector.broadcast %broadcast_in_dim3A_35 : i32 to vector<1024x20xi32>
      %swap3A_37 = arith.constant 0 : index
      %swap3A_38 = arith.constant 0 : index
      %swap3A_39 = vector.load %arg10[%swap3A_37, %swap3A_38] : memref<1024x20xi32, #tpu.memory_space<vmem>>, vector<1024x20xi32>
      tpu.vector_store %arg10[%swap3A_37, %swap3A_38], %broadcast_in_dim3A_36 {strides = array<i32>} : memref<1024x20xi32, #tpu.memory_space<vmem>>, vector<1024x20xi32>,
      %swap3A_40 = arith.constant -3.000000e+38 : f32
      %swap3A_41 = arith.constant 0 : index
      %swap3A_42 = arith.constant 0 : index
      %swap3A_43 = memref.load %arg12[%swap3A_41, %swap3A_42] : memref<1x1xf32, #tpu.memory_space<smem>>
      memref.store %swap3A_40, %arg12[%swap3A_41, %swap3A_42] : memref<1x1xf32, #tpu.memory_space<smem>>
    } else {
    }
    %eq3A_2 = arith.constant 0 : i32
    %eq3A_3 = arith.cmpi eq, %arg0, %eq3A_2 : i32
    %get3A = arith.constant 0 : index
    %get3A_4 = arith.index_cast %arg0 : i32 to index
    %get3A_5 = memref.load %arg6[%get3A, %get3A_4] : memref<1x98xf32, #tpu.memory_space<smem>>
    %get3A_6 = arith.constant 0 : index
    %get3A_7 = arith.constant 0 : index
    %get3A_8 = memref.load %arg12[%get3A_6, %get3A_7] : memref<1x1xf32, #tpu.memory_space<smem>>
    %ge3A = arith.cmpf oge, %get3A_5, %get3A_8 : f32
    %or3A = arith.ori %eq3A_3, %ge3A : i1
    %convert_element_type3A_9 = arith.extui %or3A : i1 to i32
    %cond3A_10 = arith.constant 0 : i32
    %cond3A_11 = arith.cmpi ne, %convert_element_type3A_9, %cond3A_10 : i32
    scf.if %cond3A_11 {
      %get3A_17 = arith.constant 0 : index
      %get3A_18 = arith.constant 0 : index
      %get3A_19 = vector.load %arg3[%get3A_17, %get3A_18] : memref<1024x64xf32, #tpu.memory_space<vmem>>, vector<1024x64xf32>
      %mul3A = arith.mulf %get3A_19, %get3A_19 : vector<1024x64xf32>
      %reduce_sum3A = arith.constant dense<0.000000e+00> : vector<1024xf32>
      %reduce_sum3A_20 = vector.multi_reduction <add>, %mul3A, %reduce_sum3A [1] : vector<1024x64xf32> to vector<1024xf32>
      %broadcast_in_dim3A = vector.shape_cast %reduce_sum3A_20 : vector<1024xf32> to vector<1024x1xf32>
      %sqrt3A = math.sqrt %broadcast_in_dim3A : vector<1024x1xf32>
      %max3A = arith.constant 9.99999993E-9 : f32
      %max3A_21 = vector.broadcast %max3A : f32 to vector<1024x1xf32>
      %max3A_22 = arith.maximumf %sqrt3A, %max3A_21 : vector<1024x1xf32>
      %div3A = vector.broadcast %max3A_22 : vector<1024x1xf32> to vector<1024x64xf32>
      %div3A_23 = arith.divf %get3A_19, %div3A : vector<1024x64xf32>
      %get3A_24 = arith.constant 0 : index
      %get3A_25 = arith.constant 0 : index
      %get3A_26 = vector.load %arg8[%get3A_24, %get3A_25] : memref<1024x64xf32, #tpu.memory_space<vmem>>, vector<1024x64xf32>
      %dot_general3A = arith.constant dense<0.000000e+00> : vector<1024x1024xf32>
      %dot_general3A_27 = tpu.matmul %get3A_26, %div3A_23, %dot_general3A {dimension_numbers = #tpu.dot_dimension_numbers<[1], [1], [0], [0], [0, 0, 1, 0], [], []>, transpose_lhs_hint = false} : vector<1024x64xf32>, vector<1024x64xf32>, vector<1024x1024xf32> -> vector<1024x1024xf32>
      %mul3A_28 = arith.constant 5.000000e-01 : f32
      %mul3A_29 = vector.broadcast %mul3A_28 : f32 to vector<1024x1024xf32>
      %mul3A_30 = arith.mulf %mul3A_29, %dot_general3A_27 : vector<1024x1024xf32>
      %get3A_31 = arith.constant 0 : index
      %get3A_32 = arith.constant 0 : index
      %get3A_33 = vector.load %arg4[%get3A_31, %get3A_32] : memref<1x1024xf32, #tpu.memory_space<vmem>>, vector<1x1024xf32>
      %mul3A_34 = arith.constant 5.000000e-01 : f32
      %mul3A_35 = vector.broadcast %mul3A_34 : f32 to vector<1x1024xf32>
      %mul3A_36 = arith.mulf %mul3A_35, %get3A_33 : vector<1x1024xf32>
      %add3A = vector.broadcast %mul3A_36 : vector<1x1024xf32> to vector<1024x1024xf32>
      %add3A_37 = arith.addf %mul3A_30, %add3A : vector<1024x1024xf32>
      %swap3A = arith.constant 0 : index
      %swap3A_38 = arith.constant 0 : index
      %swap3A_39 = vector.load %arg11[%swap3A, %swap3A_38] : memref<1024x1024xf32, #tpu.memory_space<vmem>>, vector<1024x1024xf32>
      tpu.vector_store %arg11[%swap3A, %swap3A_38], %add3A_37 {strides = array<i32>} : memref<1024x1024xf32, #tpu.memory_space<vmem>>, vector<1024x1024xf32>,
      %get3A_40 = arith.constant 0 : index
      %get3A_41 = arith.constant 0 : index
      %get3A_42 = vector.load %arg5[%get3A_40, %get3A_41] : memref<1x1024xi32, #tpu.memory_space<vmem>>, vector<1x1024xi32>
      %broadcast_in_dim3A_43 = vector.shape_cast %get3A_42 : vector<1x1024xi32> to vector<1x1024xi32>
      %broadcast_in_dim3A_44 = vector.broadcast %broadcast_in_dim3A_43 : vector<1x1024xi32> to vector<1024x1024xi32>
      %iota3A = tpu.iota {dimensions = array<i32: 1>} : vector<1024x20xi32>
      %get3A_45 = arith.constant 0 : index
      %get3A_46 = arith.constant 0 : index
      %get3A_47 = vector.load %arg11[%get3A_45, %get3A_46] : memref<1024x1024xf32, #tpu.memory_space<vmem>>, vector<1024x1024xf32>
      %reduce_max3A = arith.constant dense<0xFF800000> : vector<1024xf32>
      %reduce_max3A_48 = vector.multi_reduction <maximumf>, %get3A_47, %reduce_max3A [1] : vector<1024x1024xf32> to vector<1024xf32>
      %broadcast_in_dim3A_49 = vector.shape_cast %reduce_max3A_48 : vector<1024xf32> to vector<1024x1xf32>
      %get3A_50 = arith.constant 0 : index
      %get3A_51 = arith.constant 0 : index
      %get3A_52 = vector.load %arg9[%get3A_50, %get3A_51] : memref<1024x20xf32, #tpu.memory_space<vmem>>, vector<1024x20xf32>
      %slice3A = vector.extract_strided_slice %get3A_52 {offsets = [0, 19], sizes = [1024, 1], strides = [1, 1]} : vector<1024x20xf32> to vector<1024x1xf32>
      %while3A = arith.constant 1073741824 : i32
      %while3A_53:2 = scf.while (%while3A_65 = %broadcast_in_dim3A_49, %while3A_66 = %slice3A) : (vector<1024x1xf32>, vector<1024x1xf32>) -> (vector<1024x1xf32>, vector<1024x1xf32>) {
        %ge3A_67 = arith.cmpf oge, %while3A_65, %while3A_66 : vector<1024x1xf32>
        %reduce_or3A = arith.constant 1.000000e+00 : f32
        %reduce_or3A_68 = arith.constant 0.000000e+00 : f32
        %reduce_or3A_69 = vector.broadcast %reduce_or3A : f32 to vector<1024x1xf32>
        %reduce_or3A_70 = vector.broadcast %reduce_or3A_68 : f32 to vector<1024x1xf32>
        %reduce_or3A_71 = arith.select %ge3A_67, %reduce_or3A_69, %reduce_or3A_70 : vector<1024x1xi1>, vector<1024x1xf32>
        %reduce_or3A_72 = vector.shape_cast %reduce_or3A_71 : vector<1024x1xf32> to vector<1x1024x1xf32>
        %reduce_or3A_73 = arith.constant dense<0xFF800000> : vector<1xf32>
        %reduce_or3A_74 = vector.multi_reduction <maximumf>, %reduce_or3A_72, %reduce_or3A_73 [1, 2] : vector<1x1024x1xf32> to vector<1xf32>
        %reduce_or3A_75 = vector.shape_cast %reduce_or3A_74 : vector<1xf32> to vector<1x1x1xf32>
        %reduce_or3A_76 = vector.extract %reduce_or3A_75[0, 0, 0] : f32 from vector<1x1x1xf32>
        %reduce_or3A_77 = arith.constant 0.000000e+00 : f32
        %reduce_or3A_78 = arith.cmpf ogt, %reduce_or3A_76, %reduce_or3A_77 : f32
        scf.condition(%reduce_or3A_78) %while3A_65, %while3A_66 : vector<1024x1xf32>, vector<1024x1xf32>
      } do {
      ^bb0(%while3A_65: vector<1024x1xf32>, %while3A_66: vector<1024x1xf32>):
        %get3A_67 = arith.constant 0 : index
        %get3A_68 = arith.constant 0 : index
        %get3A_69 = vector.load %arg11[%get3A_67, %get3A_68] : memref<1024x1024xf32, #tpu.memory_space<vmem>>, vector<1024x1024xf32>
        %eq3A_70 = vector.broadcast %while3A_65 : vector<1024x1xf32> to vector<1024x1024xf32>
        %eq3A_71 = arith.cmpf oeq, %get3A_69, %eq3A_70 : vector<1024x1024xf32>
        %broadcast_in_dim3A_72 = vector.broadcast %while3A : i32 to vector<1024x1024xi32>
        %select_n3A = arith.select %eq3A_71, %broadcast_in_dim3A_44, %broadcast_in_dim3A_72 : vector<1024x1024xi1>, vector<1024x1024xi32>
        %reduce_min3A_73 = arith.constant dense<2147483647> : vector<1024xi32>
        %reduce_min3A_74 = vector.multi_reduction <minsi>, %select_n3A, %reduce_min3A_73 [1] : vector<1024x1024xi32> to vector<1024xi32>
        %broadcast_in_dim3A_75 = vector.shape_cast %reduce_min3A_74 : vector<1024xi32> to vector<1024x1xi32>
        %eq3A_76 = vector.broadcast %broadcast_in_dim3A_75 : vector<1024x1xi32> to vector<1024x1024xi32>
        %eq3A_77 = arith.cmpi eq, %broadcast_in_dim3A_44, %eq3A_76 : vector<1024x1024xi32>
        %and3A = arith.andi %eq3A_71, %eq3A_77 : vector<1024x1024xi1>
        %jit3A = arith.constant -3.000000e+38 : f32
        %broadcast_in_dim3A_78 = vector.broadcast %jit3A : f32 to vector<1024x1024xf32>
        %select_n3A_79 = arith.select %and3A, %broadcast_in_dim3A_78, %get3A_69 : vector<1024x1024xi1>, vector<1024x1024xf32>
        %swap3A_80 = arith.constant 0 : index
        %swap3A_81 = arith.constant 0 : index
        %swap3A_82 = vector.load %arg11[%swap3A_80, %swap3A_81] : memref<1024x1024xf32, #tpu.memory_space<vmem>>, vector<1024x1024xf32>
        tpu.vector_store %arg11[%swap3A_80, %swap3A_81], %select_n3A_79 {strides = array<i32>} : memref<1024x1024xf32, #tpu.memory_space<vmem>>, vector<1024x1024xf32>,
        %get3A_83 = arith.constant 0 : index
        %get3A_84 = arith.constant 0 : index
        %get3A_85 = vector.load %arg9[%get3A_83, %get3A_84] : memref<1024x20xf32, #tpu.memory_space<vmem>>, vector<1024x20xf32>
        %get3A_86 = arith.constant 0 : index
        %get3A_87 = arith.constant 0 : index
        %get3A_88 = vector.load %arg10[%get3A_86, %get3A_87] : memref<1024x20xi32, #tpu.memory_space<vmem>>, vector<1024x20xi32>
        %gt3A = vector.broadcast %while3A_65 : vector<1024x1xf32> to vector<1024x20xf32>
        %gt3A_89 = arith.cmpf ogt, %get3A_85, %gt3A : vector<1024x20xf32>
        %eq3A_90 = vector.broadcast %while3A_65 : vector<1024x1xf32> to vector<1024x20xf32>
        %eq3A_91 = arith.cmpf oeq, %get3A_85, %eq3A_90 : vector<1024x20xf32>
        %lt3A = vector.broadcast %broadcast_in_dim3A_75 : vector<1024x1xi32> to vector<1024x20xi32>
        %lt3A_92 = arith.cmpi slt, %get3A_88, %lt3A : vector<1024x20xi32>
        %and3A_93 = arith.andi %eq3A_91, %lt3A_92 : vector<1024x20xi1>
        %or3A_94 = arith.ori %gt3A_89, %and3A_93 : vector<1024x20xi1>
        %convert_element_type3A_95 = arith.extui %or3A_94 : vector<1024x20xi1> to vector<1024x20xi32>
        %reduce_sum3A_96 = arith.constant dense<0> : vector<1024xi32>
        %reduce_sum3A_97 = vector.multi_reduction <add>, %convert_element_type3A_95, %reduce_sum3A_96 [1] : vector<1024x20xi32> to vector<1024xi32>
        %broadcast_in_dim3A_98 = vector.shape_cast %reduce_sum3A_97 : vector<1024xi32> to vector<1024x1xi32>
        %slice3A_99 = vector.extract_strided_slice %get3A_85 {offsets = [0, 0], sizes = [1024, 1], strides = [1, 1]} : vector<1024x20xf32> to vector<1024x1xf32>
        %slice3A_100 = vector.extract_strided_slice %get3A_85 {offsets = [0, 0], sizes = [1024, 19], strides = [1, 1]} : vector<1024x20xf32> to vector<1024x19xf32>
        %concatenate3A = tpu.concatenate %slice3A_99, %slice3A_100 in 1 : vector<1024x1xf32>, vector<1024x19xf32> -> vector<1024x20xf32>
        %slice3A_101 = vector.extract_strided_slice %get3A_88 {offsets = [0, 0], sizes = [1024, 1], strides = [1, 1]} : vector<1024x20xi32> to vector<1024x1xi32>
        %slice3A_102 = vector.extract_strided_slice %get3A_88 {offsets = [0, 0], sizes = [1024, 19], strides = [1, 1]} : vector<1024x20xi32> to vector<1024x19xi32>
        %concatenate3A_103 = tpu.concatenate %slice3A_101, %slice3A_102 in 1 : vector<1024x1xi32>, vector<1024x19xi32> -> vector<1024x20xi32>
        %lt3A_104 = vector.broadcast %broadcast_in_dim3A_98 : vector<1024x1xi32> to vector<1024x20xi32>
        %lt3A_105 = arith.cmpi slt, %iota3A, %lt3A_104 : vector<1024x20xi32>
        %eq3A_106 = vector.broadcast %broadcast_in_dim3A_98 : vector<1024x1xi32> to vector<1024x20xi32>
        %eq3A_107 = arith.cmpi eq, %iota3A, %eq3A_106 : vector<1024x20xi32>
        %broadcast_in_dim3A_108 = vector.shape_cast %while3A_65 : vector<1024x1xf32> to vector<1024x1xf32>
        %broadcast_in_dim3A_109 = vector.broadcast %broadcast_in_dim3A_108 : vector<1024x1xf32> to vector<1024x20xf32>
        %select_n3A_110 = arith.select %eq3A_107, %broadcast_in_dim3A_109, %concatenate3A : vector<1024x20xi1>, vector<1024x20xf32>
        %select_n3A_111 = arith.select %lt3A_105, %get3A_85, %select_n3A_110 : vector<1024x20xi1>, vector<1024x20xf32>
        %lt3A_112 = vector.broadcast %broadcast_in_dim3A_98 : vector<1024x1xi32> to vector<1024x20xi32>
        %lt3A_113 = arith.cmpi slt, %iota3A, %lt3A_112 : vector<1024x20xi32>
        %eq3A_114 = vector.broadcast %broadcast_in_dim3A_98 : vector<1024x1xi32> to vector<1024x20xi32>
        %eq3A_115 = arith.cmpi eq, %iota3A, %eq3A_114 : vector<1024x20xi32>
        %broadcast_in_dim3A_116 = vector.shape_cast %broadcast_in_dim3A_75 : vector<1024x1xi32> to vector<1024x1xi32>
        %broadcast_in_dim3A_117 = vector.broadcast %broadcast_in_dim3A_116 : vector<1024x1xi32> to vector<1024x20xi32>
        %select_n3A_118 = arith.select %eq3A_115, %broadcast_in_dim3A_117, %concatenate3A_103 : vector<1024x20xi1>, vector<1024x20xi32>
        %select_n3A_119 = arith.select %lt3A_113, %get3A_88, %select_n3A_118 : vector<1024x20xi1>, vector<1024x20xi32>
        %swap3A_120 = arith.constant 0 : index
        %swap3A_121 = arith.constant 0 : index
        %swap3A_122 = vector.load %arg9[%swap3A_120, %swap3A_121] : memref<1024x20xf32, #tpu.memory_space<vmem>>, vector<1024x20xf32>
        tpu.vector_store %arg9[%swap3A_120, %swap3A_121], %select_n3A_111 {strides = array<i32>} : memref<1024x20xf32, #tpu.memory_space<vmem>>, vector<1024x20xf32>,
        %swap3A_123 = arith.constant 0 : index
        %swap3A_124 = arith.constant 0 : index
        %swap3A_125 = vector.load %arg10[%swap3A_123, %swap3A_124] : memref<1024x20xi32, #tpu.memory_space<vmem>>, vector<1024x20xi32>
        tpu.vector_store %arg10[%swap3A_123, %swap3A_124], %select_n3A_119 {strides = array<i32>} : memref<1024x20xi32, #tpu.memory_space<vmem>>, vector<1024x20xi32>,
        %reduce_max3A_126 = arith.constant dense<0xFF800000> : vector<1024xf32>
        %reduce_max3A_127 = vector.multi_reduction <maximumf>, %select_n3A_79, %reduce_max3A_126 [1] : vector<1024x1024xf32> to vector<1024xf32>
        %broadcast_in_dim3A_128 = vector.shape_cast %reduce_max3A_127 : vector<1024xf32> to vector<1024x1xf32>
        %slice3A_129 = vector.extract_strided_slice %select_n3A_111 {offsets = [0, 19], sizes = [1024, 1], strides = [1, 1]} : vector<1024x20xf32> to vector<1024x1xf32>
        scf.yield %broadcast_in_dim3A_128, %slice3A_129 : vector<1024x1xf32>, vector<1024x1xf32>
      }
      %get3A_54 = arith.constant 0 : index
      %get3A_55 = arith.constant 0 : index
      %get3A_56 = vector.load %arg9[%get3A_54, %get3A_55] : memref<1024x20xf32, #tpu.memory_space<vmem>>, vector<1024x20xf32>
      %slice3A_57 = vector.extract_strided_slice %get3A_56 {offsets = [0, 19], sizes = [1024, 1], strides = [1, 1]} : vector<1024x20xf32> to vector<1024x1xf32>
      %reduce_min3A = vector.shape_cast %slice3A_57 : vector<1024x1xf32> to vector<1x1024x1xf32>
      %reduce_min3A_58 = arith.constant dense<0x7F800000> : vector<1xf32>
      %reduce_min3A_59 = vector.multi_reduction <minimumf>, %reduce_min3A, %reduce_min3A_58 [1, 2] : vector<1x1024x1xf32> to vector<1xf32>
      %reduce_min3A_60 = vector.shape_cast %reduce_min3A_59 : vector<1xf32> to vector<1x1x1xf32>
      %reduce_min3A_61 = vector.extract %reduce_min3A_60[0, 0, 0] : f32 from vector<1x1x1xf32>
      %swap3A_62 = arith.constant 0 : index
      %swap3A_63 = arith.constant 0 : index
      %swap3A_64 = memref.load %arg12[%swap3A_62, %swap3A_63] : memref<1x1xf32, #tpu.memory_space<smem>>
      memref.store %reduce_min3A_61, %arg12[%swap3A_62, %swap3A_63] : memref<1x1xf32, #tpu.memory_space<smem>>
    } else {
    }
    %eq3A_12 = arith.constant 97 : i32
    %eq3A_13 = arith.cmpi eq, %arg0, %eq3A_12 : i32
    %convert_element_type3A_14 = arith.extui %eq3A_13 : i1 to i32
    %cond3A_15 = arith.constant 0 : i32
    %cond3A_16 = arith.cmpi ne, %convert_element_type3A_14, %cond3A_15 : i32
    scf.if %cond3A_16 {
      %get3A_17 = arith.constant 0 : index
      %get3A_18 = arith.constant 0 : index
      %get3A_19 = vector.load %arg10[%get3A_17, %get3A_18] : memref<1024x20xi32, #tpu.memory_space<vmem>>, vector<1024x20xi32>
      %swap3A = arith.constant 0 : index
      %swap3A_20 = arith.constant 0 : index
      %swap3A_21 = vector.load %arg7[%swap3A, %swap3A_20] : memref<1024x20xi32, #tpu.memory_space<vmem>>, vector<1024x20xi32>
      tpu.vector_store %arg7[%swap3A, %swap3A_20], %get3A_19 {strides = array<i32>} : memref<1024x20xi32, #tpu.memory_space<vmem>>, vector<1024x20xi32>,
    } else {
    }
    return
  }
  func.func @transform_0(%arg0: i32) -> (i32, i32) {
    %c0_i32 = arith.constant 0 : i32
    %c0_i32_0 = arith.constant 0 : i32
    %c0_i32_1 = arith.constant 0 : i32
    return %c0_i32, %c0_i32_0 : i32, i32
  }
  func.func @transform_1(%arg0: i32) -> (i32, i32) {
    %c0_i32 = arith.constant 0 : i32
    %c0_i32_0 = arith.constant 0 : i32
    %c0_i32_1 = arith.constant 0 : i32
    return %c0_i32, %c0_i32_0 : i32, i32
  }
  func.func @transform_2(%arg0: i32) -> (i32, i32) {
    %c0_i32 = arith.constant 0 : i32
    %c0_i32_0 = arith.constant 0 : i32
    return %arg0, %c0_i32 : i32, i32
  }
  func.func @transform_3(%arg0: i32) -> (i32, i32) {
    %c0_i32 = arith.constant 0 : i32
    %c0_i32_0 = arith.constant 0 : i32
    return %c0_i32, %arg0 : i32, i32
  }
  func.func @transform_4(%arg0: i32) -> (i32, i32) {
    %c0_i32 = arith.constant 0 : i32
    %c0_i32_0 = arith.constant 0 : i32
    return %c0_i32, %arg0 : i32, i32
  }
  func.func @transform_5(%arg0: i32) -> (i32, i32) {
    %c0_i32 = arith.constant 0 : i32
    %c0_i32_0 = arith.constant 0 : i32
    %c0_i32_1 = arith.constant 0 : i32
    return %c0_i32, %c0_i32_0 : i32, i32
  }
  func.func @transform_6(%arg0: i32) -> (i32, i32) {
    %c0_i32 = arith.constant 0 : i32
    %c0_i32_0 = arith.constant 0 : i32
    %c0_i32_1 = arith.constant 0 : i32
    return %c0_i32, %c0_i32_0 : i32, i32
  }
}

</mosaic_0001>

<sc_bundles>
// kernel: gather_offload_async_start.1
scs
__scs_entry_jumppad:
0x0: {  	(pc) =	sbr.rel $0x88, $3  }
0x1: {  	(tag) =	ssettag $0x0;
	lr =	simm.s32 $0x1  }
0x2: {  	[smem:$0x3F9D] =	sst lr;
	_ =	strace $0xD0000000  }
0x3: {  	_ = 	snop  }
0x4: {  	_ = 	snop  }
0x5: {  	_ = 	snop  }
0x6: {  	_ = 	snop  }
0x7: {  	_ = 	snop  }
__scs_overlays_trampoline_lowered:
0x8: {  	[smem:$0x3FAC] =	sst s0  }
0x9: {  	[smem:$0x3FAD] =	sst s1  }
0xa: {  	[smem:$0x3FAE] =	sst s2  }
0xb: {  	[smem:$0x3FAF] =	sst s3  }
0xc: {  	[smem:$0x3FB0] =	sst s4  }
0xd: {  	[smem:$0x3FB1] =	sst s5  }
0xe: {  	[smem:$0x3FB2] =	sst s6  }
0xf: {  	[smem:$0x3FB3] =	sst s7  }
0x10: {  	[smem:$0x3FB4] =	sst s8  }
0x11: {  	[smem:$0x3FB5] =	sst s9;
	s0 =	simm.s32 @!p0 $0x0  }
0x12: {  	s1 =	sld [smem:$0x3F9B];
	s0 =	simm.s32 @p0 $0x1  }
0x13: {  	[smem:$0x3FB6] =	sst s0;
	s0 =	simm.s32 @!p1 $0x0  }
0x14: {  	s2 =	sld [smem:$0x3F9A];
	s0 =	simm.s32 @p1 $0x1  }
0x15: {  	[smem:$0x3FB7] =	sst s0;
	s0 =	simm.s32 @!p2 $0x0  }
0x16: {  	s3 =	sld [smem:$0x3FDB];
	s0 =	simm.s32 @p2 $0x1  }
0x17: {  	s4 =	simm.s32 $0x1BF5;
	[smem:$0x3FB9] =	sst s0  }
0x18: {  	s0 =	sld [smem:$0x3F9C];
	_ =	swait.ge [sflag:s4], $0x0  }
0x19: {  	s7 =	sld [smem:$0x3F9D]  }
0x1a: {  	s8 =	sadd.s32 $0xFFFFE003, lr  }
0x1b: {  	s9 =	sadd.s32 $0xFFFFFEF7, lr;
	s5 =	simm.s32 $0xFFFFFFFF;
	p2 =	slt.u32 s8, $0xFFFFF086  }
0x1c: {  	p1 =	slt.u32 s9, $0xF7A;
	s5 =	simm.s32 @!p2 $0x0  }
0x1d: {  	s5 =	simm.s32 @p1 $0x1;
	p0 =	seq.s32 s7, s2  }
0x1e: {  	s7 =	smul.u32 @!p0 $0xF7A, s2;
	p2 =	seq.s32 @!p0 s5, $0x0  }
0x1f: {  	s9 =	smul.u32 $0xF7A, s1;
	s8 =	simm.s32 @!p0 $0x1BF5;
	p2 =	por !p2, p0  }
0x20: {  	[sflag:s8] =	ssyncset.s32 @!p0 $0xFFFFF086;
	s6 =	sadd.s32 @!p0 s3, s7;
	s7 =	simm.s32 @!p0 $0x108  }
0x21: {  	s3 =	sadd.s32 s3, s9;
	s6 =	sadd.s32 @!p0 $0x88, s6;
	s7 =	simm.s32 @p2 $0x1082  }
0x22: {  	[simem:s7], [sflag:s8] =	dma.local @!p0 [hbm:s6], $0xF7A  }
0x23: {  	s9 =	sor.u32 $0xD0000000, s2;
	s6 =	simm.s32 $0x108;
	_ =	swait.ge @!p0 [sflag:s8], $0x0  }
0x24: {  	s3 =	sadd.s32 $0x88, s3;
	s6 =	simm.s32 @!p1 $0x1082;
	[sflag:s4] =	ssyncset.s32 $0xFFFFF086  }
0x25: {  	[simem:s6], [sflag:s4] =	dma.local [hbm:s3], $0xF7A  }
0x26: {  	[smem:$0x3F9D] =	sst s1;
	(tag) =	ssettag s2;
	_ =	strace s9  }
0x27: {  	s1 =	sld [smem:$0x3FAD]  }
0x28: {  	s2 =	sld [smem:$0x3FAE]  }
0x29: {  	s4 =	sld [smem:$0x3FB0]  }
0x2a: {  	p0 =	seq.s32 s5, $0x0;
	s5 =	sld [smem:$0x3FB1]  }
0x2b: {  	s6 =	sld [smem:$0x3FB2]  }
0x2c: {  	s7 =	sld [smem:$0x3FB3]  }
0x2d: {  	s3 =	simm.s32 $0x108;
	s8 =	sld [smem:$0x3FB4]  }
0x2e: {  	s3 =	simm.s32 @!p0 $0x1082;
	s9 =	sld [smem:$0x3FB5]  }
0x2f: {  	lr =	sadd.s32 s0, s3;
	s0 =	sld [smem:$0x3FAC]  }
0x30: {  	s3 =	sld [smem:$0x3FAF]  }
0x31: {  	[smem:$0x3FB8] =	sst s10  }
0x32: {  	s10 =	sld [smem:$0x3FB6];
	_ =	sdelay $0x3  }
0x33: {  	p0 =	seq.s32 s10, $0x1;
	s10 =	sld [smem:$0x3FB8];
	_ =	sdelay $0x3  }
0x34: {  	[smem:$0x3FB8] =	sst s10  }
0x35: {  	s10 =	sld [smem:$0x3FB7];
	_ =	sdelay $0x3  }
0x36: {  	p1 =	seq.s32 s10, $0x1;
	s10 =	sld [smem:$0x3FB8];
	_ =	sdelay $0x3  }
0x37: {  	[smem:$0x3FB8] =	sst s10  }
0x38: {  	s10 =	sld [smem:$0x3FB9]  }
0x39: {  	_ = 	snop;
	(pc) =	sbr.ind lr, $3  }
0x3a: {  	_ = 	snop  }
0x3b: {  	_ = 	snop  }
0x3c: {  	p2 =	seq.s32 s10, $0x1;
	s10 =	sld [smem:$0x3FB8]  }
0x3d: {  	_ =	shalt  }
0x3e: {  	_ =	shalt  }
0x3f: {  	_ =	shalt  }
0x40: {  	_ =	shalt  }
0x41: {  	_ =	shalt  }
0x42: {  	_ =	shalt  }
0x43: {  	_ =	shalt  }
0x44: {  	_ =	shalt  }
0x45: {  	_ =	shalt  }
0x46: {  	_ =	shalt  }
0x47: {  	_ =	shalt  }
0x48: {  	_ =	shalt  }
0x49: {  	_ =	shalt  }
0x4a: {  	_ =	shalt  }
0x4b: {  	_ =	shalt  }
0x4c: {  	_ =	shalt  }
0x4d: {  	_ =	shalt  }
0x4e: {  	_ =	shalt  }
0x4f: {  	_ =	shalt  }
0x50: {  	_ =	shalt  }
0x51: {  	_ =	shalt  }
0x52: {  	_ =	shalt  }
0x53: {  	_ =	shalt  }
0x54: {  	_ =	shalt  }
0x55: {  	_ =	shalt  }
0x56: {  	_ =	shalt  }
0x57: {  	_ =	shalt  }
0x58: {  	_ =	shalt  }
0x59: {  	_ =	shalt  }
0x5a: {  	_ =	shalt  }
0x5b: {  	_ =	shalt  }
0x5c: {  	_ =	shalt  }
0x5d: {  	_ =	shalt  }
0x5e: {  	_ =	shalt  }
0x5f: {  	_ =	shalt  }
0x60: {  	_ =	shalt  }
0x61: {  	_ =	shalt  }
0x62: {  	_ =	shalt  }
0x63: {  	_ =	shalt  }
0x64: {  	_ =	shalt  }
0x65: {  	_ =	shalt  }
0x66: {  	_ =	shalt  }
0x67: {  	_ =	shalt  }
0x68: {  	_ =	shalt  }
0x69: {  	_ =	shalt  }
0x6a: {  	_ =	shalt  }
0x6b: {  	_ =	shalt  }
0x6c: {  	_ =	shalt  }
0x6d: {  	_ =	shalt  }
0x6e: {  	_ =	shalt  }
0x6f: {  	_ =	shalt  }
0x70: {  	_ =	shalt  }
0x71: {  	_ =	shalt  }
0x72: {  	_ =	shalt  }
0x73: {  	_ =	shalt  }
0x74: {  	_ =	shalt  }
0x75: {  	_ =	shalt  }
0x76: {  	_ =	shalt  }
0x77: {  	_ =	shalt  }
0x78: {  	_ =	shalt  }
0x79: {  	_ =	shalt  }
0x7a: {  	_ =	shalt  }
0x7b: {  	_ =	shalt  }
0x7c: {  	_ =	shalt  }
0x7d: {  	_ =	shalt  }
0x7e: {  	_ =	shalt  }
0x7f: {  	_ =	shalt  }
0x80: {  	_ =	shalt  }
0x81: {  	_ =	shalt  }
0x82: {  	_ =	shalt  }
0x83: {  	_ =	shalt  }
0x84: {  	_ =	shalt  }
0x85: {  	_ =	shalt  }
0x86: {  	_ =	shalt  }
0x87: {  	_ =	shalt  }
.Lfunc_end0:
.L_simem_size_0:
called_computation.1_lowered:
.L_overlay_start_0:
0x88: {  	s2 =	sld [smem:$0x3FD9]  }
0x89: {  	s3 =	sld [smem:$0x3FFE];
	_ =	sdelay $0x1  }
0x8a: {  	s1 =	srdreg.scid  }
0x8b: {  	s0 =	sand.u32 $0x1, s1  }
0x8c: {  	s14 =	sshll.u32 s0, $0xA;
	s2 =	sadd.s32 s3, s2  }
0x8d: {  	s2 =	sadd.s32 s2, s14  }
0x8e: {  	[smem:$0x3FC4] =	sst s2  }
0x8f: {  	_ = 	snop  }
0x90: {  	s2 =	sld [smem:$0x3FD0];
	_ =	sdelay $0x2  }
0x91: {  	s4 =	simm.s32 $0xB;
	s5 =	simm.s32 $0x10;
	s15 =	sld [smem:$0x3FC7]  }
0x92: {  	[smem:s5], [sflag:s4] =	dma.local [hbm:s2], $0x1  }
0x93: {  	_ =	swait.eq [sflag:s4], $0x1  }
0x94: {  	[sflag:s4] =	ssyncset.done $0x0  }
0x95: {  	[sflag:s4] =	ssyncadd.s32 $0xFFFFFFFF  }
0x96: {  	s16 =	sld [smem:$0x10];
	(tm) =	ssettm $0x1  }
0x97: {  	s17 =	sld [smem:$0x3FFB];
	_ =	sdelay $0x3  }
0x98: {  	_ =	strace s17  }
0x99: {  	s4 =	sld [smem:$0x3FFC];
	_ =	sdelay $0x3  }
0x9a: {  	_ =	strace s4  }
0x9b: {  	s4 =	sld [smem:$0x3FFD];
	_ =	sdelay $0x3  }
0x9c: {  	_ =	strace s4  }
0x9d: {  	_ =	strace $0x8FFFFFFF  }
0x9e: {  	s18 =	sld [smem:$0x3FDB];
	_ =	sdelay $0x1  }
0x9f: {  	s19 =	simm.s32 $_scs_section_size  }
0xa0: {  	s6 =	simm.s32 $_size__tile_overlayer_lowered;
	s7 =	simm.s32 $_tile_overlayer_lowered  }
0xa1: {  	s22 =	simm.s32 $0x1BFF;
	s21 =	sshll.u32 s7, $0x1;
	s4 =	sadd.s32 s19, s18  }
0xa2: {  	s8 =	simm.s32 $0x0;
	s20 =	sshll.u32 s6, $0x1;
	s6 =	sadd.s32 s21, s4  }
0xa3: {  	[timem:s8], [sflag:s22] =	dma.local [hbm:s6], s20  }
0xa4: {  	_ =	swait.ge [sflag:s22], s20  }
0xa5: {  	s5 =	ssub.s32 $0x0, s20;
	[sflag:s22] =	ssyncset.done $0x0  }
0xa6: {  	[sflag:s22] =	ssyncadd.s32 s5;
	_ =	sdelay $0x1  }
0xa7: {  	s23 =	simm.s32 $0x1B8B  }
0xa8: {  	_ =	swait.ge [sflag:s23], $0x1  }
0xa9: {  	[sflag:s23] =	ssyncset.done $0x0  }
0xaa: {  	s25 =	simm.s32 $0x1B8E;
	s24 =	sld [smem:$0x3FFE];
	[sflag:s23] =	ssyncadd.s32 $0xFFFFFFFF  }
0xab: {  	s26 =	simm.s32 $execute0_lowered;
	[smem:$0x3FD2] =	sst s25  }
0xac: {  	s6 =	sshll.u32 s26, $0x1;
	_ =	strace $0x80000046;
	[dreg:$0x1] =	wrdreg $0xFFFFFFFF  }
0xad: {  	s28 =	simm.s32 $_size_execute0_lowered;
	s4 =	sadd.s32 s4, s6;
	[dreg:$0x0] =	wrdreg $0x0  }
0xae: {  	s6 =	sshll.u32 s28, $0x1;
	[dreg:$0x2] =	wrdreg s4  }
0xaf: {  	[dreg:$0x3] =	wrdreg s6  }
0xb0: {  	[dreg:$0x4] =	wrdreg $0xC0  }
0xb1: {  	_ =	task [dreg:s8], $0x5FFFF  }
0xb2: {  	[dreg:$0x1] =	wrdreg $0xFFFFFFFF  }
0xb3: {  	[dreg:$0x0] =	wrdreg $0x60  }
0xb4: {  	[dreg:$0x2] =	wrdreg s15  }
0xb5: {  	[dreg:$0x3] =	wrdreg s16  }
0xb6: {  	[dreg:$0x4] =	wrdreg s24  }
0xb7: {  	[dreg:$0x5] =	wrdreg $0xA  }
0xb8: {  	_ =	task.clear_ibuf [dreg:s8], $0x6FFFF;
	_ =	strace $0x90000046  }
0xb9: {  	s29 =	simm.s32 $0xA;
	_ =	strace $0x80000048  }
0xba: {  	_ =	swait.ge [sflag:s29], $0x1  }
0xbb: {  	[sflag:s29] =	ssyncadd.s32 $0xFFFFFFFF  }
0xbc: {  	_ =	strace $0x90000048  }
0xbd: {  	_ =	sfence  }
0xbe: {  	s30 =	sld [smem:$0x0];
	_ =	sdelay $0x2  }
0xbf: {  	s31 =	sshll.u32 s1, $0xD;
	s1 =	sshrl.u32 s1, $0x2  }
0xc0: {  	s3 =	sand.u32 $0x4000, s31;
	s1 =	sadd.s32 s1, s30  }
0xc1: {  	s0 =	sor.u32 s3, s0;
	s1 =	sshll.u32 s1, $0x11  }
0xc2: {  	s0 =	sor.u32 s1, s0  }
0xc3: {  	s0 =	sadd.s32 $0x8F2B, s0  }
0xc4: {  	[sflag:s0] =	ssyncadd.remote.s32 $0x1  }
0xc5: {  	_ =	sfence.sel $0xFFFF  }
0xc6: {  	[dreg:$0x0] =	wrdreg $0xFFFFFFFF;
	(pc) =	sbr.abs _section_cstart, $3  }
0xc7: {  	[dreg:$0x1] =	wrdreg $0xFFFFFFFF  }
0xc8: {  	_ =	task.clear_ibuf [dreg:s8], $0x2FFFF;
	_ =	strace $0x9FFFFFFF  }
0xc9: {  	(tm) =	ssettm $0x7FFFFFFF  }
tec
execute0_lowered:
.L_overlay_start_1:
0x0: {  	(tag) =	ssettag $0x1  }
0x1: {  	s2 =	rddreg [dreg:$0x0]  }
0x2: {  	s3 =	rddreg [dreg:$0x1]  }
0x3: {  	s8 =	rddreg [dreg:$0x2];
	s1 =	stileid.u32  }
0x4: {  	s4 =	srdreg.scid;
	s0 =	rddreg [dreg:$0x3];
	_ =	strace $0x80000047  }
0x5: {  	s7 =	simm.s32 $0x1;
	s9 =	simm.s32 $0x1;
	s10 =	simm.s32 $0x3  }
0x6: {  	s13 =	simm.s32 $0x0;
	s5 =	sand.u32 $0x1, s4;
	s6 =	sshll.u32 s1, $0x1  }
0x7: {  	s12 =	simm.s32 $0x0;
	s4 =	simm.s32 $0x1;
	s5 =	sor.u32 s6, s5  }
.Ltmp0:
0x8: {  	[sflag:s4] =	ssyncpa.u1 $0x0;
	p0 =	slt.u32 s5, $0x13;
	(pc) =	sbr.rel .LBB2_1-.Ltmp0, $4  }
0x9: {  	s6 =	simm.s32 $0x2;
	s7 =	simm.s32 @!p0 $0x0;
	p0 =	sne.s32 s5, $0x12  }
0xa: {  	[sflag:s6] =	ssyncpa.u1 $0x0;
	s5 =	smul.u32 $0x7D0, s5;
	s9 =	simm.s32 @!p0 $0x0  }
0xb: {  	s8 =	sadd.s32 $0x3A00, s8;
	[sflag:s10] =	ssyncpa.u1 $0x0;
	s7 =	sadd.s32 s9, s7  }
0xc: {  	vm0 =	vmmov $0xffff;
	s10 =	simm.s32 $0x0;
	s11 =	smov.u32 s5;
	s9 =	sadd.s32 $0x1, s7  }
.LBB2_4:
0xd: {  	v2 =	vnsel vm1, $0x0, v2  }
0xe: {  	vm1 =	vgt.s32 v0, $0x0;
	v2 =	vmin.u32 v2, $0x1869F  }
0xf: {  	v0 =	vnsel vm1, $0x0, v0  }
0x10: {  	v0 =	vmin.u32 v0, $0x1869F  }
0x11: {  	[tilespmem:s18], [sflag:$0x1] =	stream.indirect_vreg.gather [hbm4b:s2+s10], $0x1, v1, vm0, $0x4038;
	[tilespmem:$0x1F40] =	vst v63  }
0x12: {  	(ifvalue) =	ssetifvalue $0x7FFFFFFF  }
0x13: {  	[tilespmem:s15], [sflag:$0x1] =	stream.indirect_vreg.gather [hbm4b:s2+s10], $0x1, v2, vm0, $0x4038;
	[tilespmem:$0x1F40] =	vst v63  }
0x14: {  	s29 =	sadd.s32 $0x10, s15;
	(ifvalue) =	ssetifvalue $0x7FFFFFFF  }
0x15: {  	[tilespmem:s29], [sflag:$0x1] =	stream.indirect_vreg.gather [hbm4b:s2+s10], $0x1, v0, vm0, $0x4038;
	[tilespmem:$0x1F40] =	vst v63  }
0x16: {  	_ =	swait.ge [sflag:s4], $0x7D0  }
0x17: {  	s30 =	sshrl.u32 s13, $0x3;
	[sflag:s4] =	ssyncset.done $0x0  }
0x18: {  	s31 =	sand.u32 $0x7, s13;
	s15 =	sadd.s32 s8, s30;
	[sflag:s4] =	ssyncadd.s32 $0xFFFFF830  }
0x19: {  	[hbm4b:s15+s31] =	stream.linear.scatter [tilespmem:s14], [sflag:$0x3], $0x7D0, $0x38;
	[tilespmem:$0x1F40] =	vst v63  }
.LBB2_5:
0x1a: {  	s15 =	sadd.s32 $0xFA00, s11  }
0x1b: {  	p1 =	sgt.s32 s15, $0x1869F  }
0x1c: {  	s15 =	smov.u32 @p1 s5;
	p1 =	sne.s32 s12, s9  }
.Ltmp1:
0x1d: {  	p0 =	slt.u32 s12, $0x2;
	(pc) =	sbr.rel @!p1 .LBB2_6-.Ltmp1, $4  }
0x1e: {  	s14 =	simm.s32 @!p0 $0x3  }
0x1f: {  	_ =	swait.ge @!p0 [sflag:s14], $0x7D0  }
0x20: {  	s16 =	sadd.s32 $0x1, s12;
	s13 =	smov.u32 s11;
	[sflag:s14] =	ssyncset.done @!p0 $0x0  }
0x21: {  	s12 =	smov.u32 s16;
	s11 =	smov.u32 s15;
	[sflag:s14] =	ssyncadd.s32 @!p0 $0xFFFFF830  }
.LBB2_1:
0x22: {  	p0 =	sge.u32 s12, s7  }
0x23: {  	s14 =	sxor.u32 @!p0 $0x1, s12  }
0x24: {  	s14 =	smul.u32 @!p0 $0x1F40, s14  }
0x25: {  	s31 =	sadd.s32 $0xFFFFFFFF, s12;
	s15 =	sshrl.u32 @!p0 s11, $0x3  }
0x26: {  	s16 =	sand.u32 @!p0 $0x7, s11;
	s15 =	sadd.s32 @!p0 s3, s15;
	s14 =	sshra.s32 @!p0 s14, $0x2  }
0x27: {  	[tilespmem:s14], [sflag:$0x2] =	stream.linear.gather @!p0 [hbm4b:s15+s16], $0x7D0, $0x38;
	[tilespmem:$0x1F40] =	vst v63  }
0x28: {  	p0 =	sge.u32 s31, s7  }
.Ltmp2:
0x29: {  	_ = 	snop;
	(pc) =	sbr.rel @p0 .LBB2_5-.Ltmp2, $1  }
0x2a: {  	_ =	sdelay $0x3  }
0x2b: {  	s14 =	sand.u32 $0x1, s12  }
0x2c: {  	_ =	swait.ge [sflag:s6], $0x7D0;
	p0 =	seq.s32 s14, $0x1;
	s14 =	simm.s32 $0x7D0  }
0x2d: {  	[sflag:s6] =	ssyncset.done $0x0;
	s14 =	simm.s32 @!p0 $0x0  }
0x2e: {  	[sflag:s6] =	ssyncadd.s32 $0xFFFFF830;
	(ifvalue) =	ssetifvalue $0x7FFFFFFF;
	v0 =	vld.msk [tilespmem:s14+$0x0 ss:$0x1], $0xffff;
	_ =	sdelay $0x4  }
0x2f: {  	s15 =	sadd.s32 $0x10, s14;
	vm1 =	vgt.s32 v0, $0x0  }
0x30: {  	v2 =	vld.msk [tilespmem:s15+$0x0 ss:$0x1], $0xffff;
	v1 =	vnsel vm1, $0x0, v0  }
0x31: {  	v1 =	vmin.u32 v1, $0x1869F;
	_ =	sdelay $0x2  }
0x32: {  	s17 =	simm.s32 $0x20;
	s14 =	sadd.s32 $0xFA0, s14;
	s16 =	sadd.s32 $0x10, s15  }
0x33: {  	s15 =	sadd.s32 $0x10, s14;
	s18 =	smov.u32 s14;
	v0 =	vld.msk [tilespmem:s16+$0x0 ss:$0x1], $0xffff;
	vm1 =	vgt.s32 v2, $0x0;
	(ifvalue) =	ssetifvalue $0x7FFFFFFF  }
.LBB2_3:
0x34: {  	[tilespmem:s18], [sflag:$0x1] =	stream.indirect_vreg.gather [hbm4b:s2+s10], $0x1, v1, vm0, $0x4038;
	[tilespmem:$0x1F40] =	vst v63  }
0x35: {  	s17 =	sadd.s32 $0x10, s17  }
0x36: {  	v2 =	vnsel vm1, $0x0, v2;
	p0 =	slt.u32 s17, $0x7C0  }
.Ltmp3:
0x37: {  	s18 =	smov.u32 s15;
	v1 =	vmin.u32 v2, $0x1869F;
	(pc) =	sbr.rel @p0 .LBB2_3-.Ltmp3, $3  }
0x38: {  	_ =	sdelay $0x1  }
0x39: {  	s16 =	sadd.s32 $0x10, s16  }
0x3a: {  	vm1 =	vgt.s32 v0, $0x0;
	s15 =	sadd.s32 $0x10, s15;
	v2 =	vmov v0;
	(ifvalue) =	ssetifvalue $0x7FFFFFFF;
	v0 =	vld.msk [tilespmem:s16+$0x0 ss:$0x1], $0xffff  }
.Ltmp4:
0x3b: {  	_ = 	snop;
	(pc) =	sbr.rel .LBB2_4-.Ltmp4, $1  }
0x3c: {  	_ =	sdelay $0x3  }
.LBB2_6:
0x3d: {  	_ =	sfence.sel $0x180000  }
0x3e: {  	s2 =	simm.s32 $0x2;
	[bflag:$0x0] =	sbarrier.arrive $0xFFFF  }
0x3f: {  	s30 =	simm.s32 $0x3;
	[sflag:s2] =	ssyncpa.u1 $0x1  }
0x40: {  	s31 =	simm.s32 $0x1;
	[sflag:s30] =	ssyncpa.u1 $0x1  }
0x41: {  	[sflag:s31] =	ssyncpa.u1 $0x1  }
0x42: {  	p0 =	sne.s32 s1, $0x0;
	_ =	strace $0x90000047  }
0x43: {  	s0 =	sadd.s32 @!p0 $0x100000, s0;
	[bflag:$0x2] =	sbarrier.arrive $0xFFFF  }
0x44: {  	[sflag:s0] =	ssyncadd.tile.s32 @!p0 $0x1;
	_ =	shalt  }
.Lfunc_end2:
_tile_overlayer_lowered:
.L_overlay_start_2:
0x45: {  	(tag) =	ssettag $0x2  }
0x46: {  	s0 =	rddreg [dreg:$0x0];
	s2 =	stileid.u32  }
0x47: {  	s1 =	rddreg [dreg:$0x1];
	p0 =	sne.s32 s2, $0x0  }
0x48: {  	s3 =	rddreg [dreg:$0x2];
	[bflag:$0x3] =	sbarrier.arrive $0xFFFF;
	s2 =	simm.s32 @!p0 $0x1C01  }
0x49: {  	[timem:s3], [sflag:s2] =	dma.local @!p0 [hbm:s0], s1  }
0x4a: {  	s0 =	simm.s32 @!p0 $0x1  }
0x4b: {  	_ =	swait.ge @!p0 [sflag:s0], s1  }
0x4c: {  	s1 =	ssub.s32 @!p0 $0x0, s1;
	[sflag:s0] =	ssyncset.done @!p0 $0x0  }
0x4d: {  	[sflag:s0] =	ssyncadd.s32 @!p0 s1  }
0x4e: {  	[bflag:$0x3] =	sbarrier.arrive $0xFFFF  }
0x4f: {  	_ =	shalt  }

// kernel: gather_offload_async_start
scs
__scs_entry_jumppad:
0x0: {  	(pc) =	sbr.rel $0x88, $3  }
0x1: {  	(tag) =	ssettag $0x0;
	lr =	simm.s32 $0x1  }
0x2: {  	[smem:$0x3F9D] =	sst lr;
	_ =	strace $0xD0000000  }
0x3: {  	_ = 	snop  }
0x4: {  	_ = 	snop  }
0x5: {  	_ = 	snop  }
0x6: {  	_ = 	snop  }
0x7: {  	_ = 	snop  }
__scs_overlays_trampoline_lowered:
0x8: {  	[smem:$0x3FAC] =	sst s0  }
0x9: {  	[smem:$0x3FAD] =	sst s1  }
0xa: {  	[smem:$0x3FAE] =	sst s2  }
0xb: {  	[smem:$0x3FAF] =	sst s3  }
0xc: {  	[smem:$0x3FB0] =	sst s4  }
0xd: {  	[smem:$0x3FB1] =	sst s5  }
0xe: {  	[smem:$0x3FB2] =	sst s6  }
0xf: {  	[smem:$0x3FB3] =	sst s7  }
0x10: {  	[smem:$0x3FB4] =	sst s8  }
0x11: {  	[smem:$0x3FB5] =	sst s9;
	s0 =	simm.s32 @!p0 $0x0  }
0x12: {  	s1 =	sld [smem:$0x3F9B];
	s0 =	simm.s32 @p0 $0x1  }
0x13: {  	[smem:$0x3FB6] =	sst s0;
	s0 =	simm.s32 @!p1 $0x0  }
0x14: {  	s2 =	sld [smem:$0x3F9A];
	s0 =	simm.s32 @p1 $0x1  }
0x15: {  	[smem:$0x3FB7] =	sst s0;
	s0 =	simm.s32 @!p2 $0x0  }
0x16: {  	s3 =	sld [smem:$0x3FDB];
	s0 =	simm.s32 @p2 $0x1  }
0x17: {  	s4 =	simm.s32 $0x1BF5;
	[smem:$0x3FB9] =	sst s0  }
0x18: {  	s0 =	sld [smem:$0x3F9C];
	_ =	swait.ge [sflag:s4], $0x0  }
0x19: {  	s7 =	sld [smem:$0x3F9D]  }
0x1a: {  	s8 =	sadd.s32 $0xFFFFE003, lr  }
0x1b: {  	s9 =	sadd.s32 $0xFFFFFEF7, lr;
	s5 =	simm.s32 $0xFFFFFFFF;
	p2 =	slt.u32 s8, $0xFFFFF086  }
0x1c: {  	p1 =	slt.u32 s9, $0xF7A;
	s5 =	simm.s32 @!p2 $0x0  }
0x1d: {  	s5 =	simm.s32 @p1 $0x1;
	p0 =	seq.s32 s7, s2  }
0x1e: {  	s7 =	smul.u32 @!p0 $0xF7A, s2;
	p2 =	seq.s32 @!p0 s5, $0x0  }
0x1f: {  	s9 =	smul.u32 $0xF7A, s1;
	s8 =	simm.s32 @!p0 $0x1BF5;
	p2 =	por !p2, p0  }
0x20: {  	[sflag:s8] =	ssyncset.s32 @!p0 $0xFFFFF086;
	s6 =	sadd.s32 @!p0 s3, s7;
	s7 =	simm.s32 @!p0 $0x108  }
0x21: {  	s3 =	sadd.s32 s3, s9;
	s6 =	sadd.s32 @!p0 $0x88, s6;
	s7 =	simm.s32 @p2 $0x1082  }
0x22: {  	[simem:s7], [sflag:s8] =	dma.local @!p0 [hbm:s6], $0xF7A  }
0x23: {  	s9 =	sor.u32 $0xD0000000, s2;
	s6 =	simm.s32 $0x108;
	_ =	swait.ge @!p0 [sflag:s8], $0x0  }
0x24: {  	s3 =	sadd.s32 $0x88, s3;
	s6 =	simm.s32 @!p1 $0x1082;
	[sflag:s4] =	ssyncset.s32 $0xFFFFF086  }
0x25: {  	[simem:s6], [sflag:s4] =	dma.local [hbm:s3], $0xF7A  }
0x26: {  	[smem:$0x3F9D] =	sst s1;
	(tag) =	ssettag s2;
	_ =	strace s9  }
0x27: {  	s1 =	sld [smem:$0x3FAD]  }
0x28: {  	s2 =	sld [smem:$0x3FAE]  }
0x29: {  	s4 =	sld [smem:$0x3FB0]  }
0x2a: {  	p0 =	seq.s32 s5, $0x0;
	s5 =	sld [smem:$0x3FB1]  }
0x2b: {  	s6 =	sld [smem:$0x3FB2]  }
0x2c: {  	s7 =	sld [smem:$0x3FB3]  }
0x2d: {  	s3 =	simm.s32 $0x108;
	s8 =	sld [smem:$0x3FB4]  }
0x2e: {  	s3 =	simm.s32 @!p0 $0x1082;
	s9 =	sld [smem:$0x3FB5]  }
0x2f: {  	lr =	sadd.s32 s0, s3;
	s0 =	sld [smem:$0x3FAC]  }
0x30: {  	s3 =	sld [smem:$0x3FAF]  }
0x31: {  	[smem:$0x3FB8] =	sst s10  }
0x32: {  	s10 =	sld [smem:$0x3FB6];
	_ =	sdelay $0x3  }
0x33: {  	p0 =	seq.s32 s10, $0x1;
	s10 =	sld [smem:$0x3FB8];
	_ =	sdelay $0x3  }
0x34: {  	[smem:$0x3FB8] =	sst s10  }
0x35: {  	s10 =	sld [smem:$0x3FB7];
	_ =	sdelay $0x3  }
0x36: {  	p1 =	seq.s32 s10, $0x1;
	s10 =	sld [smem:$0x3FB8];
	_ =	sdelay $0x3  }
0x37: {  	[smem:$0x3FB8] =	sst s10  }
0x38: {  	s10 =	sld [smem:$0x3FB9]  }
0x39: {  	_ = 	snop;
	(pc) =	sbr.ind lr, $3  }
0x3a: {  	_ = 	snop  }
0x3b: {  	_ = 	snop  }
0x3c: {  	p2 =	seq.s32 s10, $0x1;
	s10 =	sld [smem:$0x3FB8]  }
0x3d: {  	_ =	shalt  }
0x3e: {  	_ =	shalt  }
0x3f: {  	_ =	shalt  }
0x40: {  	_ =	shalt  }
0x41: {  	_ =	shalt  }
0x42: {  	_ =	shalt  }
0x43: {  	_ =	shalt  }
0x44: {  	_ =	shalt  }
0x45: {  	_ =	shalt  }
0x46: {  	_ =	shalt  }
0x47: {  	_ =	shalt  }
0x48: {  	_ =	shalt  }
0x49: {  	_ =	shalt  }
0x4a: {  	_ =	shalt  }
0x4b: {  	_ =	shalt  }
0x4c: {  	_ =	shalt  }
0x4d: {  	_ =	shalt  }
0x4e: {  	_ =	shalt  }
0x4f: {  	_ =	shalt  }
0x50: {  	_ =	shalt  }
0x51: {  	_ =	shalt  }
0x52: {  	_ =	shalt  }
0x53: {  	_ =	shalt  }
0x54: {  	_ =	shalt  }
0x55: {  	_ =	shalt  }
0x56: {  	_ =	shalt  }
0x57: {  	_ =	shalt  }
0x58: {  	_ =	shalt  }
0x59: {  	_ =	shalt  }
0x5a: {  	_ =	shalt  }
0x5b: {  	_ =	shalt  }
0x5c: {  	_ =	shalt  }
0x5d: {  	_ =	shalt  }
0x5e: {  	_ =	shalt  }
0x5f: {  	_ =	shalt  }
0x60: {  	_ =	shalt  }
0x61: {  	_ =	shalt  }
0x62: {  	_ =	shalt  }
0x63: {  	_ =	shalt  }
0x64: {  	_ =	shalt  }
0x65: {  	_ =	shalt  }
0x66: {  	_ =	shalt  }
0x67: {  	_ =	shalt  }
0x68: {  	_ =	shalt  }
0x69: {  	_ =	shalt  }
0x6a: {  	_ =	shalt  }
0x6b: {  	_ =	shalt  }
0x6c: {  	_ =	shalt  }
0x6d: {  	_ =	shalt  }
0x6e: {  	_ =	shalt  }
0x6f: {  	_ =	shalt  }
0x70: {  	_ =	shalt  }
0x71: {  	_ =	shalt  }
0x72: {  	_ =	shalt  }
0x73: {  	_ =	shalt  }
0x74: {  	_ =	shalt  }
0x75: {  	_ =	shalt  }
0x76: {  	_ =	shalt  }
0x77: {  	_ =	shalt  }
0x78: {  	_ =	shalt  }
0x79: {  	_ =	shalt  }
0x7a: {  	_ =	shalt  }
0x7b: {  	_ =	shalt  }
0x7c: {  	_ =	shalt  }
0x7d: {  	_ =	shalt  }
0x7e: {  	_ =	shalt  }
0x7f: {  	_ =	shalt  }
0x80: {  	_ =	shalt  }
0x81: {  	_ =	shalt  }
0x82: {  	_ =	shalt  }
0x83: {  	_ =	shalt  }
0x84: {  	_ =	shalt  }
0x85: {  	_ =	shalt  }
0x86: {  	_ =	shalt  }
0x87: {  	_ =	shalt  }
.Lfunc_end0:
.L_simem_size_0:
called_computation_lowered:
.L_overlay_start_0:
0x88: {  	s2 =	sld [smem:$0x3FD9]  }
0x89: {  	s3 =	sld [smem:$0x3FFE];
	_ =	sdelay $0x1  }
0x8a: {  	s1 =	srdreg.scid  }
0x8b: {  	s0 =	sand.u32 $0x1, s1  }
0x8c: {  	s15 =	sshll.u32 s0, $0xA;
	s2 =	sadd.s32 s3, s2  }
0x8d: {  	s2 =	sadd.s32 s2, s15  }
0x8e: {  	[smem:$0x3FC4] =	sst s2  }
0x8f: {  	_ = 	snop  }
0x90: {  	s2 =	sld [smem:$0x3FD0];
	_ =	sdelay $0x2  }
0x91: {  	s16 =	simm.s32 $0xB;
	s4 =	simm.s32 $0x10  }
0x92: {  	[smem:s4], [sflag:s16] =	dma.local [hbm:s2], $0x1  }
0x93: {  	_ =	swait.eq [sflag:s16], $0x1  }
0x94: {  	[sflag:s16] =	ssyncset.done $0x0  }
0x95: {  	[sflag:s16] =	ssyncadd.s32 $0xFFFFFFFF  }
0x96: {  	s17 =	sld [smem:$0x10];
	(tm) =	ssettm $0x1  }
0x97: {  	s18 =	sld [smem:$0x3FFB];
	_ =	sdelay $0x3  }
0x98: {  	_ =	strace s18  }
0x99: {  	s2 =	sld [smem:$0x3FFC];
	_ =	sdelay $0x3  }
0x9a: {  	_ =	strace s2  }
0x9b: {  	s2 =	sld [smem:$0x3FFD];
	_ =	sdelay $0x3  }
0x9c: {  	_ =	strace s2  }
0x9d: {  	_ =	strace $0x8FFFFFFF  }
0x9e: {  	s19 =	sld [smem:$0x3FDB];
	_ =	sdelay $0x1  }
0x9f: {  	s20 =	simm.s32 $_scs_section_size  }
0xa0: {  	s5 =	simm.s32 $_size__tile_overlayer_lowered;
	s6 =	simm.s32 $_tile_overlayer_lowered  }
0xa1: {  	s7 =	simm.s32 $0x1BFF;
	s21 =	sshll.u32 s6, $0x1;
	s4 =	sadd.s32 s20, s19  }
0xa2: {  	s22 =	simm.s32 $0x0;
	s5 =	sshll.u32 s5, $0x1;
	s6 =	sadd.s32 s21, s4  }
0xa3: {  	[timem:s22], [sflag:s7] =	dma.local [hbm:s6], s5  }
0xa4: {  	_ =	swait.ge [sflag:s7], s5  }
0xa5: {  	s5 =	ssub.s32 $0x0, s5;
	[sflag:s7] =	ssyncset.done $0x0  }
0xa6: {  	[sflag:s7] =	ssyncadd.s32 s5;
	_ =	sdelay $0x1  }
0xa7: {  	s23 =	simm.s32 $0x1B8B  }
0xa8: {  	_ =	swait.ge [sflag:s23], $0x1  }
0xa9: {  	[sflag:s23] =	ssyncset.done $0x0  }
0xaa: {  	[sflag:s23] =	ssyncadd.s32 $0xFFFFFFFF  }
0xab: {  	s5 =	sld [smem:$0x0]  }
0xac: {  	s6 =	sand.u32 $0xFFFFFFFE, s1  }
0xad: {  	p0 =	sne.s32 s1, s6  }
0xae: {  	s6 =	sshll.u32 @p0 s6, $0xE  }
0xaf: {  	s6 =	sadd.s32 @p0 $0x11B8D, s6;
	s7 =	sshll.u32 @p0 s5, $0x11  }
0xb0: {  	s6 =	sor.u32 @p0 s7, s6  }
0xb1: {  	[sflag:s6] =	ssyncadd.remote.s32 @p0 $0x1;
	_ =	sdelay $0x1  }
0xb2: {  	s6 =	simm.s32 @p0 $0x1B8D  }
0xb3: {  	_ =	swait.eq @p0 [sflag:s6], $0x1  }
0xb4: {  	[sflag:s6] =	ssyncadd.s32 @p0 $0xFFFFFFFF  }
0xb5: {  	s7 =	sshll.u32 @!p0 s1, $0xE  }
0xb6: {  	s7 =	sor.u32 @!p0 $0x4000, s7;
	s6 =	simm.s32 @!p0 $0x1B8D  }
0xb7: {  	s5 =	sshll.u32 @!p0 s5, $0x11;
	s7 =	sadd.s32 @!p0 $0x11B8D, s7;
	_ =	swait.eq @!p0 [sflag:s6], $0x1  }
0xb8: {  	s5 =	sor.u32 @!p0 s5, s7;
	[sflag:s6] =	ssyncadd.s32 @!p0 $0xFFFFFFFF  }
0xb9: {  	s25 =	simm.s32 $0x1B8E;
	s24 =	sld [smem:$0x3FFE];
	[sflag:s5] =	ssyncadd.remote.s32 @!p0 $0x1  }
0xba: {  	s26 =	simm.s32 $execute0_lowered;
	[smem:$0x3FD2] =	sst s25  }
0xbb: {  	s6 =	sshll.u32 s26, $0x1;
	_ =	strace $0x80000049;
	[dreg:$0x1] =	wrdreg $0xFFFFFFFF  }
0xbc: {  	s28 =	simm.s32 $_size_execute0_lowered;
	s4 =	sadd.s32 s4, s6;
	[dreg:$0x0] =	wrdreg $0x0  }
0xbd: {  	s6 =	sshll.u32 s28, $0x1;
	[dreg:$0x2] =	wrdreg s4  }
0xbe: {  	[dreg:$0x3] =	wrdreg s6  }
0xbf: {  	[dreg:$0x4] =	wrdreg $0xC0  }
0xc0: {  	_ =	task [dreg:s22], $0x5FFFF  }
0xc1: {  	[dreg:$0x1] =	wrdreg $0xFFFFFFFF  }
0xc2: {  	[dreg:$0x0] =	wrdreg $0x60  }
0xc3: {  	[dreg:$0x2] =	wrdreg s24  }
0xc4: {  	[dreg:$0x3] =	wrdreg s17  }
0xc5: {  	[dreg:$0x4] =	wrdreg $0x9  }
0xc6: {  	_ =	task.clear_ibuf [dreg:s22], $0x5FFFF;
	_ =	strace $0x90000049  }
0xc7: {  	s29 =	simm.s32 $0x9;
	_ =	strace $0x8000004B  }
0xc8: {  	_ =	swait.ge [sflag:s29], $0x1  }
0xc9: {  	[sflag:s29] =	ssyncadd.s32 $0xFFFFFFFF  }
0xca: {  	_ =	strace $0x9000004B  }
0xcb: {  	_ =	sfence  }
0xcc: {  	s30 =	sld [smem:$0x0];
	_ =	sdelay $0x2  }
0xcd: {  	s31 =	sshll.u32 s1, $0xD;
	s1 =	sshrl.u32 s1, $0x2  }
0xce: {  	s4 =	sand.u32 $0x4000, s31;
	s1 =	sadd.s32 s1, s30  }
0xcf: {  	s0 =	sor.u32 s4, s0;
	s1 =	sshll.u32 s1, $0x11  }
0xd0: {  	s0 =	sor.u32 s1, s0  }
0xd1: {  	s0 =	sadd.s32 $0x8F2B, s0  }
0xd2: {  	[sflag:s0] =	ssyncadd.remote.s32 $0x1  }
0xd3: {  	_ =	sfence.sel $0xFFFF  }
0xd4: {  	[dreg:$0x0] =	wrdreg $0xFFFFFFFF;
	(pc) =	sbr.abs _section_cstart, $3  }
0xd5: {  	[dreg:$0x1] =	wrdreg $0xFFFFFFFF  }
0xd6: {  	_ =	task.clear_ibuf [dreg:s22], $0x2FFFF;
	_ =	strace $0x9FFFFFFF  }
0xd7: {  	(tm) =	ssettm $0x7FFFFFFF  }
tec
execute0_lowered:
.L_overlay_start_1:
0x0: {  	(tag) =	ssettag $0x1  }
0x1: {  	s0 =	srdreg.scid  }
0x2: {  	s1 =	sshll.u32 s0, $0x4  }
0x3: {  	s0 =	stileid.u32;
	s1 =	sand.u32 $0x10, s1  }
0x4: {  	s2 =	sor.u32 s0, s1  }
0x5: {  	s1 =	smul.u32 $0x7, s2  }
0x6: {  	s3 =	smin.u32 s2, $0x1A  }
0x7: {  	s1 =	sadd.s32 s3, s1  }
0x8: {  	p0 =	slt.u32 s2, $0x1A;
	s2 =	simm.s32 $0xC80;
	s1 =	smul.u32 $0x190, s1  }
0x9: {  	s2 =	simm.s32 @!p0 $0xAF0  }
0xa: {  	s2 =	sadd.s32 s2, s1  }
0xb: {  	s3 =	smin.u32 s2, $0x186A0  }
0xc: {  	s7 =	ssub.s32 s3, s1  }
0xd: {  	p0 =	sgt.s32 s7, $0x0  }
0xe: {  	s7 =	simm.s32 @!p0 $0x0  }
0xf: {  	s9 =	rddreg [dreg:$0x0];
	s31 =	smulhi.u32 $0x51EB851F, s7  }
0x10: {  	s4 =	rddreg [dreg:$0x1];
	s6 =	simm.s32 $0x1  }
0x11: {  	s11 =	simm.s32 $0x3;
	s13 =	simm.s32 $0x0;
	s8 =	sshrl.u32 s31, $0x7  }
0x12: {  	s12 =	simm.s32 $0x0;
	s5 =	sadd.s32 $0x6C00, s9;
	s10 =	smul.u32 $0x190, s8  }
.Ltmp0:
0x13: {  	s9 =	sadd.s32 $0x18D600, s9;
	s2 =	rddreg [dreg:$0x2];
	(pc) =	sbr.rel .LBB2_1-.Ltmp0, $4  }
0x14: {  	_ =	strace $0x8000004A;
	p0 =	sne.s32 s7, s10;
	s10 =	simm.s32 $0x1  }
0x15: {  	[sflag:s6] =	ssyncpa.u1 $0x0;
	s7 =	simm.s32 $0x2;
	s10 =	simm.s32 @!p0 $0x0  }
0x16: {  	[sflag:s7] =	ssyncpa.u1 $0x0;
	p0 =	por $0x0, $0x0;
	s8 =	sadd.s32 s10, s8  }
0x17: {  	vm0 =	vmmov $0xff;
	vm1 =	vcmask $0x3F20;
	[sflag:s11] =	ssyncpa.u1 $0x0;
	s11 =	smov.u32 s1;
	s10 =	sadd.s32 $0x1, s8  }
.LBB2_6:
0x18: {  	[hbm:s17] =	stream.linear.scatter [tilespmem:s14], [sflag:$0x3], $0x400, $0x38;
	[tilespmem:$0x19320] =	vst v63  }
.LBB2_7:
0x19: {  	s13 =	sadd.s32 $0x190, s11  }
0x1a: {  	s15 =	smov.u32 s1;
	p2 =	slt.s32 s13, s3  }
0x1b: {  	s15 =	smov.u32 @p2 s13;
	p2 =	sne.s32 s12, s10  }
.Ltmp1:
0x1c: {  	p1 =	slt.u32 s12, $0x2;
	(pc) =	sbr.rel @!p2 .LBB2_8-.Ltmp1, $4  }
0x1d: {  	s14 =	simm.s32 @!p1 $0x3  }
0x1e: {  	s16 =	sadd.s32 $0x1, s12;
	_ =	swait.ge @!p1 [sflag:s14], $0xC800  }
0x1f: {  	p0 =	por !p0, !p0;
	s13 =	smov.u32 s11;
	[sflag:s14] =	ssyncset.done @!p1 $0x0  }
0x20: {  	s12 =	smov.u32 s16;
	s11 =	smov.u32 s15;
	[sflag:s14] =	ssyncadd.s32 @!p1 $0xFFFF3800  }
.LBB2_1:
0x21: {  	p1 =	sge.u32 s12, s8  }
0x22: {  	s14 =	sxor.u32 @!p1 $0xFFFFFFFF, s12  }
0x23: {  	s14 =	sand.u32 @!p1 $0x1, s14  }
0x24: {  	s14 =	smul.u32 @!p1 $0x640, s14  }
0x25: {  	s31 =	sadd.s32 $0xFFFFFFFF, s12;
	s15 =	sshrl.u32 @!p1 s11, $0x3  }
0x26: {  	s16 =	sand.u32 @!p1 $0x7, s11;
	s15 =	sadd.s32 @!p1 s4, s15;
	s14 =	sshrl.u32 @!p1 s14, $0x2  }
0x27: {  	[tilespmem:s14], [sflag:$0x2] =	stream.linear.gather @!p1 [hbm4b:s15+s16], $0x190, $0x38;
	[tilespmem:$0x19320] =	vst v63  }
0x28: {  	p1 =	sge.u32 s31, s8  }
.Ltmp2:
0x29: {  	_ = 	snop;
	(pc) =	sbr.rel @p1 .LBB2_7-.Ltmp2, $1  }
0x2a: {  	_ =	sdelay $0x3  }
0x2b: {  	s14 =	simm.s32 $0x1  }
0x2c: {  	s14 =	simm.s32 @!p0 $0x0  }
0x2d: {  	s15 =	smul.u32 $0x640, s14  }
0x2e: {  	_ =	swait.ge [sflag:s7], $0x190  }
0x2f: {  	[sflag:s7] =	ssyncset.done $0x0;
	s16 =	sshrl.u32 s15, $0x2  }
0x30: {  	[sflag:s7] =	ssyncadd.s32 $0xFFFFFE70;
	s15 =	sadd.s32 $0x0, s16  }
0x31: {  	v0 =	vld.msk [tilespmem:s15+$0x0 ss:$0x1], $0xffff;
	_ =	sdelay $0x4  }
0x32: {  	vm2 =	vgt.s32 v0, $0x0  }
0x33: {  	v0 =	vnsel vm2, $0x0, v0  }
0x34: {  	v0 =	vmin.u32 v0, $0x1869F  }
0x35: {  	v0 =	vshll.u32 v0, $0x4  }
0x36: {  	s14 =	smul.u32 $0x32000, s14;
	_ =	sdelay $0x1  }
0x37: {  	s14 =	sshrl.u32 s14, $0x2  }
0x38: {  	s14 =	sor.u32 $0x320, s14  }
0x39: {  	[tilespmem:s14], [sflag:$0x1] =	stream.indirect_vreg.gather [hbm:s5], $0x80, v0, vm0, $0x38;
	[tilespmem:$0x19320] =	vst v63  }
0x3a: {  	s17 =	sadd.s32 $0x10, s16;
	s15 =	sadd.s32 $0x400, s14  }
0x3b: {  	[tilespmem:s15], [sflag:$0x1] =	stream.indirect_vreg.gather [hbm:s5], $0x80, v0, vm1, $0x38;
	[tilespmem:$0x19320] =	vst v63  }
0x3c: {  	s18 =	simm.s32 $0x80;
	v0 =	vld.msk [tilespmem:s17+$0x0 ss:$0x1], $0xffff;
	s17 =	smov.u32 s14  }
.LBB2_3:
0x3d: {  	p1 =	sne.s32 s18, $0x600;
	_ =	sdelay $0x4  }
0x3e: {  	vm2 =	vgt.s32 v0, $0x0  }
0x3f: {  	v0 =	vnsel vm2, $0x0, v0  }
0x40: {  	v0 =	vmin.u32 v0, $0x1869F  }
0x41: {  	v0 =	vshll.u32 v0, $0x4;
	_ =	sdelay $0x3  }
.Ltmp3:
0x42: {  	s19 =	sshra.s32 s18, $0x2;
	s17 =	sadd.s32 $0x800, s17;
	(pc) =	sbr.rel @p1 .LBB2_3-.Ltmp3, $4  }
0x43: {  	[tilespmem:s17], [sflag:$0x1] =	stream.indirect_vreg.gather [hbm:s5], $0x80, v0, vm0, $0x38;
	[tilespmem:$0x19320] =	vst v63  }
0x44: {  	s19 =	sadd.s32 s19, s16;
	s20 =	sadd.s32 $0x400, s17  }
0x45: {  	[tilespmem:s20], [sflag:$0x1] =	stream.indirect_vreg.gather [hbm:s5], $0x80, v0, vm1, $0x38;
	[tilespmem:$0x19320] =	vst v63  }
0x46: {  	s18 =	sadd.s32 $0x40, s18;
	v0 =	vld.msk [tilespmem:s19+$0x0 ss:$0x1], $0xffff  }
0x47: {  	_ =	sdelay $0x3  }
0x48: {  	vm2 =	vgt.s32 v0, $0x0  }
0x49: {  	v0 =	vnsel vm2, $0x0, v0  }
0x4a: {  	v0 =	vmin.u32 v0, $0x1869F  }
0x4b: {  	v0 =	vshll.u32 v0, $0x4;
	_ =	sdelay $0x3  }
0x4c: {  	s16 =	sadd.s32 $0x800, s17  }
0x4d: {  	[tilespmem:s16], [sflag:$0x1] =	stream.indirect_vreg.gather [hbm:s5], $0x80, v0, vm0, $0x38;
	[tilespmem:$0x19320] =	vst v63  }
0x4e: {  	s16 =	sadd.s32 $0x400, s16  }
0x4f: {  	[tilespmem:s16], [sflag:$0x1] =	stream.indirect_vreg.gather [hbm:s5], $0x80, v0, vm1, $0x38;
	[tilespmem:$0x19320] =	vst v63  }
0x50: {  	s13 =	sshll.u32 s13, $0x4;
	_ =	swait.ge [sflag:s6], $0xC800  }
0x51: {  	s13 =	sadd.s32 s13, s9;
	[sflag:s6] =	ssyncset.done $0x0  }
0x52: {  	s17 =	sadd.s32 $0x0, s13;
	s16 =	simm.s32 $0x80;
	[sflag:s6] =	ssyncadd.s32 $0xFFFF3800  }
.LBB2_5:
0x53: {  	[hbm:s17] =	stream.linear.scatter [tilespmem:s14], [sflag:$0x3], $0x400, $0x38;
	[tilespmem:$0x19320] =	vst v63  }
0x54: {  	s17 =	smov.u32 s16;
	s14 =	smov.u32 s15;
	p1 =	sne.s32 s16, $0x1880  }
.Ltmp4:
0x55: {  	s16 =	sadd.s32 $0x80, s16;
	(pc) =	sbr.rel @p1 .LBB2_5-.Ltmp4, $2  }
0x56: {  	_ =	sdelay $0x2  }
0x57: {  	s15 =	sadd.s32 $0x400, s15;
	s17 =	sadd.s32 s17, s13  }
.Ltmp5:
0x58: {  	_ = 	snop;
	(pc) =	sbr.rel .LBB2_6-.Ltmp5, $1  }
0x59: {  	_ =	sdelay $0x3  }
.LBB2_8:
0x5a: {  	_ =	sfence.sel $0x180000  }
0x5b: {  	s1 =	simm.s32 $0x2;
	[bflag:$0x0] =	sbarrier.arrive $0xFFFF  }
0x5c: {  	s30 =	simm.s32 $0x3;
	[sflag:s1] =	ssyncpa.u1 $0x1  }
0x5d: {  	s31 =	simm.s32 $0x1;
	[sflag:s30] =	ssyncpa.u1 $0x1  }
0x5e: {  	[sflag:s31] =	ssyncpa.u1 $0x1  }
0x5f: {  	p0 =	sne.s32 s0, $0x0;
	_ =	strace $0x9000004A  }
0x60: {  	s0 =	sadd.s32 @!p0 $0x100000, s2;
	[bflag:$0x2] =	sbarrier.arrive $0xFFFF  }
0x61: {  	[sflag:s0] =	ssyncadd.tile.s32 @!p0 $0x1;
	_ =	shalt  }
.Lfunc_end2:
_tile_overlayer_lowered:
.L_overlay_start_2:
0x62: {  	(tag) =	ssettag $0x2  }
0x63: {  	s0 =	rddreg [dreg:$0x0];
	s2 =	stileid.u32  }
0x64: {  	s1 =	rddreg [dreg:$0x1];
	p0 =	sne.s32 s2, $0x0  }
0x65: {  	s3 =	rddreg [dreg:$0x2];
	[bflag:$0x3] =	sbarrier.arrive $0xFFFF;
	s2 =	simm.s32 @!p0 $0x1C01  }
0x66: {  	[timem:s3], [sflag:s2] =	dma.local @!p0 [hbm:s0], s1  }
0x67: {  	s0 =	simm.s32 @!p0 $0x1  }
0x68: {  	_ =	swait.ge @!p0 [sflag:s0], s1  }
0x69: {  	s1 =	ssub.s32 @!p0 $0x0, s1;
	[sflag:s0] =	ssyncset.done @!p0 $0x0  }
0x6a: {  	[sflag:s0] =	ssyncadd.s32 @!p0 s1  }
0x6b: {  	[bflag:$0x3] =	sbarrier.arrive $0xFFFF  }
0x6c: {  	_ =	shalt  }

// kernel: kernel.4.cloned.1.call-start
scs
__scs_entry_jumppad:
0x0: {  	(pc) =	sbr.rel $0x88, $3  }
0x1: {  	(tag) =	ssettag $0x0;
	lr =	simm.s32 $0x1  }
0x2: {  	[smem:$0x3F9D] =	sst lr;
	_ =	strace $0xD0000000  }
0x3: {  	_ = 	snop  }
0x4: {  	_ = 	snop  }
0x5: {  	_ = 	snop  }
0x6: {  	_ = 	snop  }
0x7: {  	_ = 	snop  }
__scs_overlays_trampoline_lowered:
0x8: {  	[smem:$0x3FAC] =	sst s0  }
0x9: {  	[smem:$0x3FAD] =	sst s1  }
0xa: {  	[smem:$0x3FAE] =	sst s2  }
0xb: {  	[smem:$0x3FAF] =	sst s3  }
0xc: {  	[smem:$0x3FB0] =	sst s4  }
0xd: {  	[smem:$0x3FB1] =	sst s5  }
0xe: {  	[smem:$0x3FB2] =	sst s6  }
0xf: {  	[smem:$0x3FB3] =	sst s7  }
0x10: {  	[smem:$0x3FB4] =	sst s8  }
0x11: {  	[smem:$0x3FB5] =	sst s9;
	s0 =	simm.s32 @!p0 $0x0  }
0x12: {  	s1 =	sld [smem:$0x3F9B];
	s0 =	simm.s32 @p0 $0x1  }
0x13: {  	[smem:$0x3FB6] =	sst s0;
	s0 =	simm.s32 @!p1 $0x0  }
0x14: {  	s2 =	sld [smem:$0x3F9A];
	s0 =	simm.s32 @p1 $0x1  }
0x15: {  	[smem:$0x3FB7] =	sst s0;
	s0 =	simm.s32 @!p2 $0x0  }
0x16: {  	s3 =	sld [smem:$0x3FDB];
	s0 =	simm.s32 @p2 $0x1  }
0x17: {  	s4 =	simm.s32 $0x1BF5;
	[smem:$0x3FB9] =	sst s0  }
0x18: {  	s0 =	sld [smem:$0x3F9C];
	_ =	swait.ge [sflag:s4], $0x0  }
0x19: {  	s7 =	sld [smem:$0x3F9D]  }
0x1a: {  	s8 =	sadd.s32 $0xFFFFE003, lr  }
0x1b: {  	s9 =	sadd.s32 $0xFFFFFEF7, lr;
	s5 =	simm.s32 $0xFFFFFFFF;
	p2 =	slt.u32 s8, $0xFFFFF086  }
0x1c: {  	p1 =	slt.u32 s9, $0xF7A;
	s5 =	simm.s32 @!p2 $0x0  }
0x1d: {  	s5 =	simm.s32 @p1 $0x1;
	p0 =	seq.s32 s7, s2  }
0x1e: {  	s7 =	smul.u32 @!p0 $0xF7A, s2;
	p2 =	seq.s32 @!p0 s5, $0x0  }
0x1f: {  	s9 =	smul.u32 $0xF7A, s1;
	s8 =	simm.s32 @!p0 $0x1BF5;
	p2 =	por !p2, p0  }
0x20: {  	[sflag:s8] =	ssyncset.s32 @!p0 $0xFFFFF086;
	s6 =	sadd.s32 @!p0 s3, s7;
	s7 =	simm.s32 @!p0 $0x108  }
0x21: {  	s3 =	sadd.s32 s3, s9;
	s6 =	sadd.s32 @!p0 $0x88, s6;
	s7 =	simm.s32 @p2 $0x1082  }
0x22: {  	[simem:s7], [sflag:s8] =	dma.local @!p0 [hbm:s6], $0xF7A  }
0x23: {  	s9 =	sor.u32 $0xD0000000, s2;
	s6 =	simm.s32 $0x108;
	_ =	swait.ge @!p0 [sflag:s8], $0x0  }
0x24: {  	s3 =	sadd.s32 $0x88, s3;
	s6 =	simm.s32 @!p1 $0x1082;
	[sflag:s4] =	ssyncset.s32 $0xFFFFF086  }
0x25: {  	[simem:s6], [sflag:s4] =	dma.local [hbm:s3], $0xF7A  }
0x26: {  	[smem:$0x3F9D] =	sst s1;
	(tag) =	ssettag s2;
	_ =	strace s9  }
0x27: {  	s1 =	sld [smem:$0x3FAD]  }
0x28: {  	s2 =	sld [smem:$0x3FAE]  }
0x29: {  	s4 =	sld [smem:$0x3FB0]  }
0x2a: {  	p0 =	seq.s32 s5, $0x0;
	s5 =	sld [smem:$0x3FB1]  }
0x2b: {  	s6 =	sld [smem:$0x3FB2]  }
0x2c: {  	s7 =	sld [smem:$0x3FB3]  }
0x2d: {  	s3 =	simm.s32 $0x108;
	s8 =	sld [smem:$0x3FB4]  }
0x2e: {  	s3 =	simm.s32 @!p0 $0x1082;
	s9 =	sld [smem:$0x3FB5]  }
0x2f: {  	lr =	sadd.s32 s0, s3;
	s0 =	sld [smem:$0x3FAC]  }
0x30: {  	s3 =	sld [smem:$0x3FAF]  }
0x31: {  	[smem:$0x3FB8] =	sst s10  }
0x32: {  	s10 =	sld [smem:$0x3FB6];
	_ =	sdelay $0x3  }
0x33: {  	p0 =	seq.s32 s10, $0x1;
	s10 =	sld [smem:$0x3FB8];
	_ =	sdelay $0x3  }
0x34: {  	[smem:$0x3FB8] =	sst s10  }
0x35: {  	s10 =	sld [smem:$0x3FB7];
	_ =	sdelay $0x3  }
0x36: {  	p1 =	seq.s32 s10, $0x1;
	s10 =	sld [smem:$0x3FB8];
	_ =	sdelay $0x3  }
0x37: {  	[smem:$0x3FB8] =	sst s10  }
0x38: {  	s10 =	sld [smem:$0x3FB9]  }
0x39: {  	_ = 	snop;
	(pc) =	sbr.ind lr, $3  }
0x3a: {  	_ = 	snop  }
0x3b: {  	_ = 	snop  }
0x3c: {  	p2 =	seq.s32 s10, $0x1;
	s10 =	sld [smem:$0x3FB8]  }
0x3d: {  	_ =	shalt  }
0x3e: {  	_ =	shalt  }
0x3f: {  	_ =	shalt  }
0x40: {  	_ =	shalt  }
0x41: {  	_ =	shalt  }
0x42: {  	_ =	shalt  }
0x43: {  	_ =	shalt  }
0x44: {  	_ =	shalt  }
0x45: {  	_ =	shalt  }
0x46: {  	_ =	shalt  }
0x47: {  	_ =	shalt  }
0x48: {  	_ =	shalt  }
0x49: {  	_ =	shalt  }
0x4a: {  	_ =	shalt  }
0x4b: {  	_ =	shalt  }
0x4c: {  	_ =	shalt  }
0x4d: {  	_ =	shalt  }
0x4e: {  	_ =	shalt  }
0x4f: {  	_ =	shalt  }
0x50: {  	_ =	shalt  }
0x51: {  	_ =	shalt  }
0x52: {  	_ =	shalt  }
0x53: {  	_ =	shalt  }
0x54: {  	_ =	shalt  }
0x55: {  	_ =	shalt  }
0x56: {  	_ =	shalt  }
0x57: {  	_ =	shalt  }
0x58: {  	_ =	shalt  }
0x59: {  	_ =	shalt  }
0x5a: {  	_ =	shalt  }
0x5b: {  	_ =	shalt  }
0x5c: {  	_ =	shalt  }
0x5d: {  	_ =	shalt  }
0x5e: {  	_ =	shalt  }
0x5f: {  	_ =	shalt  }
0x60: {  	_ =	shalt  }
0x61: {  	_ =	shalt  }
0x62: {  	_ =	shalt  }
0x63: {  	_ =	shalt  }
0x64: {  	_ =	shalt  }
0x65: {  	_ =	shalt  }
0x66: {  	_ =	shalt  }
0x67: {  	_ =	shalt  }
0x68: {  	_ =	shalt  }
0x69: {  	_ =	shalt  }
0x6a: {  	_ =	shalt  }
0x6b: {  	_ =	shalt  }
0x6c: {  	_ =	shalt  }
0x6d: {  	_ =	shalt  }
0x6e: {  	_ =	shalt  }
0x6f: {  	_ =	shalt  }
0x70: {  	_ =	shalt  }
0x71: {  	_ =	shalt  }
0x72: {  	_ =	shalt  }
0x73: {  	_ =	shalt  }
0x74: {  	_ =	shalt  }
0x75: {  	_ =	shalt  }
0x76: {  	_ =	shalt  }
0x77: {  	_ =	shalt  }
0x78: {  	_ =	shalt  }
0x79: {  	_ =	shalt  }
0x7a: {  	_ =	shalt  }
0x7b: {  	_ =	shalt  }
0x7c: {  	_ =	shalt  }
0x7d: {  	_ =	shalt  }
0x7e: {  	_ =	shalt  }
0x7f: {  	_ =	shalt  }
0x80: {  	_ =	shalt  }
0x81: {  	_ =	shalt  }
0x82: {  	_ =	shalt  }
0x83: {  	_ =	shalt  }
0x84: {  	_ =	shalt  }
0x85: {  	_ =	shalt  }
0x86: {  	_ =	shalt  }
0x87: {  	_ =	shalt  }
.Lfunc_end0:
.L_simem_size_0:
called_computation.2_lowered:
.L_overlay_start_0:
0x88: {  	s2 =	sld [smem:$0x3FD9]  }
0x89: {  	s3 =	sld [smem:$0x3FFE];
	_ =	sdelay $0x1  }
0x8a: {  	s1 =	srdreg.scid  }
0x8b: {  	s0 =	sand.u32 $0x1, s1  }
0x8c: {  	s14 =	sshll.u32 s0, $0xA;
	s2 =	sadd.s32 s3, s2  }
0x8d: {  	s2 =	sadd.s32 s2, s14  }
0x8e: {  	[smem:$0x3FC4] =	sst s2  }
0x8f: {  	_ = 	snop  }
0x90: {  	s2 =	sld [smem:$0x3FD0];
	_ =	sdelay $0x2  }
0x91: {  	s15 =	simm.s32 $0xB;
	s4 =	simm.s32 $0x10  }
0x92: {  	[smem:s4], [sflag:s15] =	dma.local [hbm:s2], $0x1  }
0x93: {  	_ =	swait.eq [sflag:s15], $0x1  }
0x94: {  	[sflag:s15] =	ssyncset.done $0x0  }
0x95: {  	[sflag:s15] =	ssyncadd.s32 $0xFFFFFFFF  }
0x96: {  	s16 =	sld [smem:$0x10];
	(tm) =	ssettm $0x1  }
0x97: {  	s17 =	sld [smem:$0x3FFB];
	_ =	sdelay $0x3  }
0x98: {  	_ =	strace s17  }
0x99: {  	s3 =	sld [smem:$0x3FFC];
	_ =	sdelay $0x3  }
0x9a: {  	_ =	strace s3  }
0x9b: {  	s3 =	sld [smem:$0x3FFD];
	_ =	sdelay $0x3  }
0x9c: {  	_ =	strace s3  }
0x9d: {  	_ =	strace $0x8FFFFFFF  }
0x9e: {  	s18 =	sld [smem:$0x3FDB];
	_ =	sdelay $0x1  }
0x9f: {  	s19 =	simm.s32 $_scs_section_size  }
0xa0: {  	s5 =	simm.s32 $_size__tile_overlayer_lowered;
	s6 =	simm.s32 $_tile_overlayer_lowered  }
0xa1: {  	s22 =	simm.s32 $0x1BFF;
	s21 =	sshll.u32 s6, $0x1;
	s3 =	sadd.s32 s19, s18  }
0xa2: {  	s7 =	simm.s32 $0x0;
	s20 =	sshll.u32 s5, $0x1;
	s5 =	sadd.s32 s21, s3  }
0xa3: {  	[timem:s7], [sflag:s22] =	dma.local [hbm:s5], s20  }
0xa4: {  	_ =	swait.ge [sflag:s22], s20  }
0xa5: {  	s4 =	ssub.s32 $0x0, s20;
	[sflag:s22] =	ssyncset.done $0x0  }
0xa6: {  	[sflag:s22] =	ssyncadd.s32 s4;
	_ =	sdelay $0x1  }
0xa7: {  	s23 =	simm.s32 $0x1B8B  }
0xa8: {  	_ =	swait.ge [sflag:s23], $0x1  }
0xa9: {  	[sflag:s23] =	ssyncset.done $0x0  }
0xaa: {  	s25 =	simm.s32 $0x1B8E;
	s24 =	sld [smem:$0x3FFE];
	[sflag:s23] =	ssyncadd.s32 $0xFFFFFFFF  }
0xab: {  	s26 =	simm.s32 $execute0_lowered;
	[smem:$0x3FD2] =	sst s25  }
0xac: {  	s5 =	sshll.u32 s26, $0x1;
	_ =	strace $0x8000004C;
	[dreg:$0x1] =	wrdreg $0xFFFFFFFF  }
0xad: {  	s28 =	simm.s32 $_size_execute0_lowered;
	s3 =	sadd.s32 s3, s5;
	[dreg:$0x0] =	wrdreg $0x0  }
0xae: {  	s5 =	sshll.u32 s28, $0x1;
	[dreg:$0x2] =	wrdreg s3  }
0xaf: {  	[dreg:$0x3] =	wrdreg s5  }
0xb0: {  	[dreg:$0x4] =	wrdreg $0xC0  }
0xb1: {  	_ =	task [dreg:s7], $0x5FFFF  }
0xb2: {  	[dreg:$0x1] =	wrdreg $0xFFFFFFFF  }
0xb3: {  	[dreg:$0x0] =	wrdreg $0x60  }
0xb4: {  	[dreg:$0x2] =	wrdreg s24  }
0xb5: {  	[dreg:$0x3] =	wrdreg s16  }
0xb6: {  	[dreg:$0x4] =	wrdreg $0x9  }
0xb7: {  	_ =	task.clear_ibuf [dreg:s7], $0x5FFFF;
	_ =	strace $0x9000004C  }
0xb8: {  	s29 =	simm.s32 $0x9;
	_ =	strace $0x8000004E  }
0xb9: {  	_ =	swait.ge [sflag:s29], $0x1  }
0xba: {  	[sflag:s29] =	ssyncadd.s32 $0xFFFFFFFF  }
0xbb: {  	_ =	strace $0x9000004E  }
0xbc: {  	_ =	sfence  }
0xbd: {  	s30 =	sld [smem:$0x0];
	_ =	sdelay $0x2  }
0xbe: {  	s31 =	sshll.u32 s1, $0xD;
	s1 =	sshrl.u32 s1, $0x2  }
0xbf: {  	s3 =	sand.u32 $0x4000, s31;
	s1 =	sadd.s32 s1, s30  }
0xc0: {  	s0 =	sor.u32 s3, s0;
	s1 =	sshll.u32 s1, $0x11  }
0xc1: {  	s0 =	sor.u32 s1, s0  }
0xc2: {  	s0 =	sadd.s32 $0x8F2B, s0  }
0xc3: {  	[sflag:s0] =	ssyncadd.remote.s32 $0x1  }
0xc4: {  	_ =	sfence.sel $0xFFFF  }
0xc5: {  	[dreg:$0x0] =	wrdreg $0xFFFFFFFF;
	(pc) =	sbr.abs _section_cstart, $3  }
0xc6: {  	[dreg:$0x1] =	wrdreg $0xFFFFFFFF  }
0xc7: {  	_ =	task.clear_ibuf [dreg:s7], $0x2FFFF;
	_ =	strace $0x9FFFFFFF  }
0xc8: {  	(tm) =	ssettm $0x7FFFFFFF  }
0xc9: {  	_ =	shalt  }
tec
execute0_lowered:
.L_overlay_start_1:
0x0: {  	(tag) =	ssettag $0x1  }
0x1: {  	s1 =	srdreg.scid  }
0x2: {  	s0 =	stileid.u32;
	s8 =	rddreg [dreg:$0x0]  }
0x3: {  	s3 =	rddreg [dreg:$0x1];
	s6 =	sand.u32 $0x1, s1;
	s30 =	sshll.u32 s0, $0x1  }
0x4: {  	s2 =	simm.s32 $0x0;
	s1 =	rddreg [dreg:$0x2];
	s7 =	sor.u32 s6, s30  }
0x5: {  	[smem:$0x7FF] =	sst s2;
	s4 =	smul.u32 $0x50, s7  }
0x6: {  	s5 =	sadd.s32 $0x314000, s8;
	_ =	strace $0x8000004D;
	s10 =	ssub.s32 $0x2, s6  }
0x7: {  	s6 =	simm.s32 $0x280;
	s4 =	sadd.s32 s3, s4;
	s3 =	simm.s32 $0x2  }
0x8: {  	[tilespmem:s2], [sflag:$0x2] =	stream.linear.gather [hbm4b:s4+s2], $0x280, $0x38;
	[tilespmem:$0x14280] =	vst v63  }
0x9: {  	s9 =	smul.u32 $0x2800, s7;
	s11 =	sshrl.u32 s10, $0x1;
	_ =	swait.ge [sflag:s3], $0x280  }
0xa: {  	s7 =	simm.s32 $0x1;
	s31 =	ssub.s32 s10, s11;
	[sflag:s3] =	ssyncset.done $0x0  }
0xb: {  	s8 =	sadd.s32 s9, s8;
	s9 =	smax.u32 s31, $0x1;
	[sflag:s3] =	ssyncadd.s32 $0xFFFFFD80  }
0xc: {  	[tilespmem:s6], [sflag:$0x1] =	stream.indirect.gather [hbm4b:s5+s6], $0x80, s2, s6, $0xb8;
	[tilespmem:$0x14280] =	vst v63  }
0xd: {  	p0 =	sne.s32 s9, $0x1;
	_ =	swait.ge [sflag:s7], $0x14000  }
.Ltmp0:
0xe: {  	[sflag:s7] =	ssyncset.done $0x0;
	(pc) =	sbr.rel @!p0 .LBB2_2-.Ltmp0, $4  }
0xf: {  	s8 =	sadd.s32 $0x800, s8;
	[sflag:s7] =	ssyncadd.s32 $0xFFFEC000  }
0x10: {  	[hbm4b:s8+s2] =	stream.linear.scatter [tilespmem:s6], [sflag:$0x2], $0x14000, $0x38;
	[tilespmem:$0x14280] =	vst v63  }
0x11: {  	_ =	swait.ge [sflag:s3], $0x14000  }
0x12: {  	s9 =	sadd.s32 $0xFFFFFFFF, s9;
	[sflag:s3] =	ssyncset.done $0x0  }
.LBB2_1:
0x13: {  	p0 =	sne.s32 s9, $0x1;
	s9 =	sadd.s32 $0xFFFFFFFF, s9;
	[sflag:s3] =	ssyncadd.s32 $0xFFFEC000  }
0x14: {  	[tilespmem:s2], [sflag:$0x2] =	stream.linear.gather [hbm4b:s4+s2], $0x280, $0x38;
	[tilespmem:$0x14280] =	vst v63  }
0x15: {  	_ =	swait.ge [sflag:s3], $0x280  }
0x16: {  	[sflag:s3] =	ssyncset.done $0x0  }
0x17: {  	[sflag:s3] =	ssyncadd.s32 $0xFFFFFD80  }
0x18: {  	[tilespmem:s6], [sflag:$0x1] =	stream.indirect.gather [hbm4b:s5+s6], $0x80, s2, s6, $0xb8;
	[tilespmem:$0x14280] =	vst v63  }
0x19: {  	_ =	swait.ge [sflag:s7], $0x14000  }
.Ltmp1:
0x1a: {  	[sflag:s7] =	ssyncset.done $0x0;
	(pc) =	sbr.rel @p0 .LBB2_1-.Ltmp1, $4  }
0x1b: {  	[sflag:s7] =	ssyncadd.s32 $0xFFFEC000  }
0x1c: {  	[hbm4b:s8+s2] =	stream.linear.scatter [tilespmem:s6], [sflag:$0x2], $0x14000, $0x38;
	[tilespmem:$0x14280] =	vst v63  }
0x1d: {  	_ =	swait.ge [sflag:s3], $0x14000  }
0x1e: {  	[sflag:s3] =	ssyncset.done $0x0  }
.LBB2_2:
0x1f: {  	[sflag:s3] =	ssyncadd.s32 $0xFFFEC000  }
0x20: {  	_ =	sfence.sel $0x180000  }
0x21: {  	[bflag:$0x0] =	sbarrier.arrive $0xFFFF  }
0x22: {  	p0 =	sne.s32 s0, $0x0;
	_ =	strace $0x9000004D  }
0x23: {  	s0 =	sadd.s32 @!p0 $0x100000, s1;
	[bflag:$0x2] =	sbarrier.arrive $0xFFFF  }
0x24: {  	[sflag:s0] =	ssyncadd.tile.s32 @!p0 $0x1;
	_ =	shalt  }
.Lfunc_end2:
_tile_overlayer_lowered:
.L_overlay_start_2:
0x25: {  	(tag) =	ssettag $0x2  }
0x26: {  	s0 =	rddreg [dreg:$0x0];
	s2 =	stileid.u32  }
0x27: {  	s1 =	rddreg [dreg:$0x1];
	p0 =	sne.s32 s2, $0x0  }
0x28: {  	s3 =	rddreg [dreg:$0x2];
	[bflag:$0x3] =	sbarrier.arrive $0xFFFF;
	s2 =	simm.s32 @!p0 $0x1C02  }
0x29: {  	[timem:s3], [sflag:s2] =	dma.local @!p0 [hbm:s0], s1  }
0x2a: {  	s0 =	simm.s32 @!p0 $0x2  }
0x2b: {  	_ =	swait.ge @!p0 [sflag:s0], s1  }
0x2c: {  	s1 =	ssub.s32 @!p0 $0x0, s1;
	[sflag:s0] =	ssyncset.done @!p0 $0x0  }
0x2d: {  	[sflag:s0] =	ssyncadd.s32 @!p0 s1  }
0x2e: {  	[bflag:$0x3] =	sbarrier.arrive $0xFFFF  }
0x2f: {  	_ =	shalt  }

</sc_bundles>
